<compile_context>
chip_gen: v7x
topology: tpu7x:2x2x1
jax: 0.10.2.dev20260603
libtpu: 0.0.44.dev20260713+nightly
codegen_flags: <defaults>
</compile_context>

<pallas_src>
import functools

import jax
import jax.numpy as jnp
from jax import lax
from jax.experimental import pallas as pl
from jax.experimental.pallas import tpu as pltpu
from jax.experimental.pallas import tpu_sc as plsc

B = 4096
L = 200
EMB = 64
PADE = 128
SCALE = 8.0

NC = 2
NS = 16
NW = NC * NS
TOK_PER_W = B * L // NW

LANES = 16
VPR = EMB // LANES

GW = 128
CHUNKS = TOK_PER_W // GW


def _body(tokens_hbm, table_hbm, pos_hbm, out_hbm, idx_all, rows, outb, pos_v,
          sem_g, sem_o):
    wid = lax.axis_index("s") * NC + lax.axis_index("c")

    pltpu.sync_copy(tokens_hbm.at[wid], idx_all)
    pltpu.sync_copy(pos_hbm, pos_v)

    out_base = wid * TOK_PER_W

    def start_gather(g, b):
        pltpu.async_copy(
            table_hbm.at[idx_all.at[g]], rows.at[b], sem_g.at[b])

    def wait_gather(g, b):
        pltpu.make_async_copy(
            table_hbm.at[idx_all.at[g]], rows.at[b], sem_g.at[b]).wait()

    def start_out(g, b):
        pltpu.async_copy(
            outb.at[b], out_hbm.at[pl.ds(out_base + g * GW, GW)],
            sem_o.at[b])

    def wait_out(b):
        pltpu.make_async_copy(
            outb.at[b], out_hbm.at[pl.ds(out_base, GW)], sem_o.at[b]).wait()

    start_gather(0, 0)

    def step(i, carry):
        for b in (0, 1):
            g = 2 * i + b

            @pl.when(g >= 2)
            def _():
                wait_out(b)

            @pl.when(g + 1 < CHUNKS)
            def _():
                start_gather(g + 1, 1 - b)

            wait_gather(g, b)

            off = lax.rem(g * GW, L)

            def fma_row(r, c2):
                p = off + r
                p = p - jnp.where(p >= L, L, 0)
                ph = p // 2
                pc = (p % 2) * EMB
                for j in range(VPR):
                    outb[b, r, pl.ds(j * LANES, LANES)] = (
                        rows[b, r, pl.ds(j * LANES, LANES)] * SCALE
                        + pos_v[ph, pl.ds(pc + j * LANES, LANES)])
                return c2

            lax.fori_loop(0, GW, fma_row, 0, unroll=4)
            start_out(g, b)
        return carry

    lax.fori_loop(0, CHUNKS // 2, step, 0)
    wait_out(0)
    wait_out(1)


@functools.lru_cache(maxsize=1)
def _build():
    mesh = plsc.VectorSubcoreMesh(core_axis_name="c", subcore_axis_name="s")
    return pl.kernel(
        _body,
        mesh=mesh,
        out_type=jax.ShapeDtypeStruct((B * L, EMB), jnp.float32),
        scratch_types=[
            pltpu.VMEM((CHUNKS, GW), jnp.int32),
            pltpu.VMEM((2, GW, PADE), jnp.float32),
            pltpu.VMEM((2, GW, EMB), jnp.float32),
            pltpu.VMEM((L // 2, 2 * EMB), jnp.float32),
            pltpu.SemaphoreType.DMA((2,)),
            pltpu.SemaphoreType.DMA((2,)),
        ],
    )


def kernel(tokens, table, pos_embedding):
    tokens_w = tokens.reshape(-1).astype(jnp.int32).reshape(NW, CHUNKS, GW)
    table_p = jnp.pad(table, ((0, 0), (0, PADE - EMB)))
    pos_p = pos_embedding[0, :L, :].reshape(L // 2, 2 * EMB)
    out = _build()(tokens_w, table_p, pos_p)
    return out.reshape(B, L, EMB)

# --- scband reference (transcript-rebuilt; emitter-appended) ---
"""Pipeline reference for scband-my-embedder-67611375174061 (READ-ONLY COPY).

The authoritative reference and input builder live on the scoring server;
editing this copy changes nothing except your own understanding.
"""

import jax, jax.numpy as jnp
import numpy as np

VOCAB = 1000000
EMB = 64
PAD = 0
MAXLEN = 5000
B = 4096
L = 200


def make_pos_embedding():
    den = np.exp(-np.arange(0, EMB, 2) * np.log(10000.0) / EMB)
    pos = np.arange(0, MAXLEN)[:, None]
    pe = np.zeros((MAXLEN, EMB), dtype=np.float32)
    pe[:, 0::2] = np.sin(pos * den)
    pe[:, 1::2] = np.cos(pos * den)
    return jnp.asarray(pe)[None, :, :]  # [1, MAXLEN, EMB]


def setup_inputs(seed: int = 0) -> dict:
    key = jax.random.key(seed)
    k_tok, k_tab = jax.random.split(key)
    tokens = jax.random.randint(k_tok, (B, L), 0, VOCAB, dtype=jnp.int64 if jax.config.jax_enable_x64 else jnp.int32)
    table = jax.random.normal(k_tab, (VOCAB, EMB), dtype=jnp.float32)
    table = table.at[PAD].set(0.0)  # padding_idx row initialized to zeros, as in nn.Embedding
    pos_embedding = make_pos_embedding()
    return {"tokens": tokens, "table": table, "pos_embedding": pos_embedding}


def reference(tokens, table, pos_embedding):
    # nn.Embedding with padding_idx: row PAD is zero
    tab = table.at[PAD].set(0.0)
    emb = jnp.take(tab, tokens, axis=0) * np.sqrt(EMB)  # [B, L, EMB]
    out = emb + pos_embedding[:, : emb.shape[1]]
    # dropout in eval mode is identity
    return out

if __name__ == "__main__":
    import jax
    _d = setup_inputs()
    print(jax.jit(kernel)(*tuple(_d.values())))

</pallas_src>

<mosaic_0001>
#map = affine_map<(d0, d1) -> (0, 0, 0)>
#map1 = affine_map<(d0, d1) -> (0, 0)>
module attributes {stable_mosaic.version = 14 : i64} {
  func.func @_body(%arg0: i32, %arg1: i32, %arg2: memref<32x200x128xi32, #tpu.memory_space<hbm>>, %arg3: memref<1000000x128xf32, #tpu.memory_space<hbm>>, %arg4: memref<100x128xf32, #tpu.memory_space<hbm>>, %arg5: memref<819200x64xf32, #tpu.memory_space<hbm>>, %arg6: memref<200x128xi32, #tpu.memory_space<vmem>>, %arg7: memref<2x128x128xf32, #tpu.memory_space<vmem>>, %arg8: memref<2x128x64xf32, #tpu.memory_space<vmem>>, %arg9: memref<100x128xf32, #tpu.memory_space<vmem>>, %arg10: memref<2x!tpu.dma_semaphore, #tpu.memory_space<semaphore_mem>>, %arg11: memref<2x!tpu.dma_semaphore, #tpu.memory_space<semaphore_mem>>) attributes {dimension_semantics = [#tpu.dimension_semantics<core_parallel>, #tpu.dimension_semantics<subcore_parallel>], iteration_bounds = array<i64: 2, 16>, scalar_prefetch = 0 : i64, scratch_operands = 6 : i64, tpu.core_type = #tpu.core_type<sc_vector_subcore>, window_params = [{transform_indices = #map}, {transform_indices = #map1}, {transform_indices = #map1}, {transform_indices = #map1}]} {
    %mul3A = arith.constant 2 : i32
    %mul3A_0 = arith.muli %arg1, %mul3A : i32
    %add3A = arith.addi %mul3A_0, %arg0 : i32
    "tpu.region"() ({
      %run_scoped3A = tpu.sem_alloc : memref<!tpu.dma_semaphore, #tpu.memory_space<semaphore_mem>>
      %dma_start3A_53 = arith.constant 0 : i32
      %dma_start3A_54 = arith.constant 0 : i32
      %dma_start3A_55 = tpu.memref_slice %arg2[%add3A, %dma_start3A_53, %dma_start3A_54] : memref<32x200x128xi32, #tpu.memory_space<hbm>> -> memref<1x200x128xi32, #tpu.memory_space<hbm>>
      %dma_start3A_56 = tpu.memref_squeeze %dma_start3A_55 : memref<1x200x128xi32, #tpu.memory_space<hbm>> -> memref<200x128xi32, #tpu.memory_space<hbm>>
      %dma_start3A_57 = arith.constant 0 : i32
      %dma_start3A_58 = arith.constant 0 : i32
      %dma_start3A_59 = tpu.memref_slice %arg2[%add3A, %dma_start3A_57, %dma_start3A_58] : memref<32x200x128xi32, #tpu.memory_space<hbm>> -> memref<1x200x128xi32, #tpu.memory_space<hbm>>
      %dma_start3A_60 = tpu.memref_squeeze %dma_start3A_59 : memref<1x200x128xi32, #tpu.memory_space<hbm>> -> memref<200x128xi32, #tpu.memory_space<hbm>>
      tpu.enqueue_dma source(%dma_start3A_60 : memref<200x128xi32, #tpu.memory_space<hbm>>) target(%arg6 : memref<200x128xi32, #tpu.memory_space<vmem>>) target_semaphore(%run_scoped3A : memref<!tpu.dma_semaphore, #tpu.memory_space<semaphore_mem>>)
      %dma_wait3A_61 = arith.constant 0 : i32
      %dma_wait3A_62 = arith.constant 0 : i32
      %dma_wait3A_63 = tpu.memref_slice %arg2[%add3A, %dma_wait3A_61, %dma_wait3A_62] : memref<32x200x128xi32, #tpu.memory_space<hbm>> -> memref<1x200x128xi32, #tpu.memory_space<hbm>>
      %dma_wait3A_64 = tpu.memref_squeeze %dma_wait3A_63 : memref<1x200x128xi32, #tpu.memory_space<hbm>> -> memref<200x128xi32, #tpu.memory_space<hbm>>
      %dma_wait3A_65 = arith.constant 0 : i32
      %dma_wait3A_66 = arith.constant 0 : i32
      %dma_wait3A_67 = tpu.memref_slice %arg2[%add3A, %dma_wait3A_65, %dma_wait3A_66] : memref<32x200x128xi32, #tpu.memory_space<hbm>> -> memref<1x200x128xi32, #tpu.memory_space<hbm>>
      %dma_wait3A_68 = tpu.memref_squeeze %dma_wait3A_67 : memref<1x200x128xi32, #tpu.memory_space<hbm>> -> memref<200x128xi32, #tpu.memory_space<hbm>>
      tpu.wait_dma2 semaphore(%run_scoped3A : memref<!tpu.dma_semaphore, #tpu.memory_space<semaphore_mem>>) src(%dma_wait3A_68 : memref<200x128xi32, #tpu.memory_space<hbm>>) dst(%arg6 : memref<200x128xi32, #tpu.memory_space<vmem>>)
      tpu.yield
    }) : () -> ()
    "tpu.region"() ({
      %run_scoped3A = tpu.sem_alloc : memref<!tpu.dma_semaphore, #tpu.memory_space<semaphore_mem>>
      tpu.enqueue_dma source(%arg4 : memref<100x128xf32, #tpu.memory_space<hbm>>) target(%arg9 : memref<100x128xf32, #tpu.memory_space<vmem>>) target_semaphore(%run_scoped3A : memref<!tpu.dma_semaphore, #tpu.memory_space<semaphore_mem>>)
      tpu.wait_dma2 semaphore(%run_scoped3A : memref<!tpu.dma_semaphore, #tpu.memory_space<semaphore_mem>>) src(%arg4 : memref<100x128xf32, #tpu.memory_space<hbm>>) dst(%arg9 : memref<100x128xf32, #tpu.memory_space<vmem>>)
      tpu.yield
    }) : () -> ()
    %mul3A_1 = arith.constant 25600 : i32
    %mul3A_2 = arith.muli %add3A, %mul3A_1 : i32
    %dma_start3A = arith.constant 0 : i32
    %dma_start3A_3 = arith.constant 0 : i32
    %dma_start3A_4 = arith.constant 0 : i32
    %dma_start3A_5 = arith.constant 0 : i32
    %dma_start3A_6 = arith.constant 0 : i32
    %dma_start3A_7 = tpu.memref_slice %arg7[%dma_start3A_3, %dma_start3A_5, %dma_start3A_6] : memref<2x128x128xf32, #tpu.memory_space<vmem>> -> memref<1x128x128xf32, #tpu.memory_space<vmem>>
    %dma_start3A_8 = tpu.memref_squeeze %dma_start3A_7 : memref<1x128x128xf32, #tpu.memory_space<vmem>> -> memref<128x128xf32, #tpu.memory_space<vmem>>
    %dma_start3A_9 = arith.constant 0 : i32
    %dma_start3A_10 = tpu.memref_slice %arg6[%dma_start3A, %dma_start3A_9] : memref<200x128xi32, #tpu.memory_space<vmem>> -> memref<1x128xi32, #tpu.memory_space<vmem>>
    %dma_start3A_11 = tpu.memref_squeeze %dma_start3A_10 : memref<1x128xi32, #tpu.memory_space<vmem>> -> memref<128xi32, #tpu.memory_space<vmem>>
    %dma_start3A_12 = arith.constant 0 : i32
    %dma_start3A_13 = arith.constant 0 : i32
    %dma_start3A_14 = tpu.memref_slice %arg3[%dma_start3A_12, %dma_start3A_13] : memref<1000000x128xf32, #tpu.memory_space<hbm>> -> memref<1000000x128xf32, #tpu.memory_space<hbm>>
    %dma_start3A_15 = tpu.memref_slice %arg10[%dma_start3A_4] : memref<2x!tpu.dma_semaphore, #tpu.memory_space<semaphore_mem>> -> memref<1x!tpu.dma_semaphore, #tpu.memory_space<semaphore_mem>>
    %dma_start3A_16 = tpu.memref_squeeze %dma_start3A_15 : memref<1x!tpu.dma_semaphore, #tpu.memory_space<semaphore_mem>> -> memref<!tpu.dma_semaphore, #tpu.memory_space<semaphore_mem>>
    tpu.enqueue_indirect_dma source(%dma_start3A_14 : memref<1000000x128xf32, #tpu.memory_space<hbm>>) target(%dma_start3A_8 : memref<128x128xf32, #tpu.memory_space<vmem>>) offsets(%dma_start3A_11 : memref<128xi32, #tpu.memory_space<vmem>>) semaphore(%dma_start3A_16 : memref<!tpu.dma_semaphore, #tpu.memory_space<semaphore_mem>>)
    %scan3A = arith.constant 0 : i32
    %scan3A_17 = arith.constant 0 : i32
    %scan3A_18 = arith.constant 100 : i32
    %scan3A_19 = arith.addi %scan3A_17, %scan3A_18 : i32
    %scan3A_20 = arith.constant 1 : i32
    scf.for %scan3A_53 = %scan3A_17 to %scan3A_19 step %scan3A_20  : i32 {
      %mul3A_54 = arith.constant 2 : i32
      %mul3A_55 = arith.muli %mul3A_54, %scan3A_53 : i32
      %add3A_56 = arith.constant 0 : i32
      %add3A_57 = arith.addi %mul3A_55, %add3A_56 : i32
      %ge3A = arith.constant 2 : i32
      %ge3A_58 = arith.cmpi sge, %add3A_57, %ge3A : i32
      %convert_element_type3A = arith.extui %ge3A_58 : i1 to i32
      %cond3A = arith.constant 0 : i32
      %cond3A_59 = arith.cmpi ne, %convert_element_type3A, %cond3A : i32
      scf.if %cond3A_59 {
        %dma_wait3A_167 = arith.constant 0 : i32
        %dma_wait3A_168 = arith.constant 0 : i32
        %dma_wait3A_169 = arith.constant 0 : i32
        %dma_wait3A_170 = arith.constant 0 : i32
        %dma_wait3A_171 = tpu.memref_slice %arg8[%dma_wait3A_167, %dma_wait3A_169, %dma_wait3A_170] : memref<2x128x64xf32, #tpu.memory_space<vmem>> -> memref<1x128x64xf32, #tpu.memory_space<vmem>>
        %dma_wait3A_172 = tpu.memref_squeeze %dma_wait3A_171 : memref<1x128x64xf32, #tpu.memory_space<vmem>> -> memref<128x64xf32, #tpu.memory_space<vmem>>
        %dma_wait3A_173 = arith.constant 0 : i32
        %dma_wait3A_174 = tpu.memref_slice %arg5[%mul3A_2, %dma_wait3A_173] : memref<819200x64xf32, #tpu.memory_space<hbm>> -> memref<128x64xf32, #tpu.memory_space<hbm>>
        %dma_wait3A_175 = tpu.memref_slice %arg11[%dma_wait3A_168] : memref<2x!tpu.dma_semaphore, #tpu.memory_space<semaphore_mem>> -> memref<1x!tpu.dma_semaphore, #tpu.memory_space<semaphore_mem>>
        %dma_wait3A_176 = tpu.memref_squeeze %dma_wait3A_175 : memref<1x!tpu.dma_semaphore, #tpu.memory_space<semaphore_mem>> -> memref<!tpu.dma_semaphore, #tpu.memory_space<semaphore_mem>>
        %dma_wait3A_177 = arith.constant 0 : i32
        %dma_wait3A_178 = tpu.memref_slice %arg5[%mul3A_2, %dma_wait3A_177] : memref<819200x64xf32, #tpu.memory_space<hbm>> -> memref<128x64xf32, #tpu.memory_space<hbm>>
        %dma_wait3A_179 = arith.constant 0 : i32
        %dma_wait3A_180 = arith.constant 0 : i32
        %dma_wait3A_181 = tpu.memref_slice %arg8[%dma_wait3A_167, %dma_wait3A_179, %dma_wait3A_180] : memref<2x128x64xf32, #tpu.memory_space<vmem>> -> memref<1x128x64xf32, #tpu.memory_space<vmem>>
        %dma_wait3A_182 = tpu.memref_squeeze %dma_wait3A_181 : memref<1x128x64xf32, #tpu.memory_space<vmem>> -> memref<128x64xf32, #tpu.memory_space<vmem>>
        tpu.wait_dma2 semaphore(%dma_wait3A_176 : memref<!tpu.dma_semaphore, #tpu.memory_space<semaphore_mem>>) src(%dma_wait3A_182 : memref<128x64xf32, #tpu.memory_space<vmem>>) dst(%dma_wait3A_178 : memref<128x64xf32, #tpu.memory_space<hbm>>)
      } else {
      }
      %add3A_60 = arith.constant 1 : i32
      %add3A_61 = arith.addi %add3A_57, %add3A_60 : i32
      %lt3A = arith.constant 200 : i32
      %lt3A_62 = arith.cmpi slt, %add3A_61, %lt3A : i32
      %convert_element_type3A_63 = arith.extui %lt3A_62 : i1 to i32
      %cond3A_64 = arith.constant 0 : i32
      %cond3A_65 = arith.cmpi ne, %convert_element_type3A_63, %cond3A_64 : i32
      scf.if %cond3A_65 {
        %add3A_167 = arith.constant 1 : i32
        %add3A_168 = arith.addi %add3A_57, %add3A_167 : i32
        %dma_start3A_169 = arith.constant 1 : i32
        %dma_start3A_170 = arith.constant 1 : i32
        %dma_start3A_171 = arith.constant 0 : i32
        %dma_start3A_172 = arith.constant 0 : i32
        %dma_start3A_173 = tpu.memref_slice %arg7[%dma_start3A_169, %dma_start3A_171, %dma_start3A_172] : memref<2x128x128xf32, #tpu.memory_space<vmem>> -> memref<1x128x128xf32, #tpu.memory_space<vmem>>
        %dma_start3A_174 = tpu.memref_squeeze %dma_start3A_173 : memref<1x128x128xf32, #tpu.memory_space<vmem>> -> memref<128x128xf32, #tpu.memory_space<vmem>>
        %dma_start3A_175 = arith.constant 0 : i32
        %dma_start3A_176 = tpu.memref_slice %arg6[%add3A_168, %dma_start3A_175] : memref<200x128xi32, #tpu.memory_space<vmem>> -> memref<1x128xi32, #tpu.memory_space<vmem>>
        %dma_start3A_177 = tpu.memref_squeeze %dma_start3A_176 : memref<1x128xi32, #tpu.memory_space<vmem>> -> memref<128xi32, #tpu.memory_space<vmem>>
        %dma_start3A_178 = arith.constant 0 : i32
        %dma_start3A_179 = arith.constant 0 : i32
        %dma_start3A_180 = tpu.memref_slice %arg3[%dma_start3A_178, %dma_start3A_179] : memref<1000000x128xf32, #tpu.memory_space<hbm>> -> memref<1000000x128xf32, #tpu.memory_space<hbm>>
        %dma_start3A_181 = tpu.memref_slice %arg10[%dma_start3A_170] : memref<2x!tpu.dma_semaphore, #tpu.memory_space<semaphore_mem>> -> memref<1x!tpu.dma_semaphore, #tpu.memory_space<semaphore_mem>>
        %dma_start3A_182 = tpu.memref_squeeze %dma_start3A_181 : memref<1x!tpu.dma_semaphore, #tpu.memory_space<semaphore_mem>> -> memref<!tpu.dma_semaphore, #tpu.memory_space<semaphore_mem>>
        tpu.enqueue_indirect_dma source(%dma_start3A_180 : memref<1000000x128xf32, #tpu.memory_space<hbm>>) target(%dma_start3A_174 : memref<128x128xf32, #tpu.memory_space<vmem>>) offsets(%dma_start3A_177 : memref<128xi32, #tpu.memory_space<vmem>>) semaphore(%dma_start3A_182 : memref<!tpu.dma_semaphore, #tpu.memory_space<semaphore_mem>>)
      } else {
      }
      %dma_wait3A_66 = arith.constant 0 : i32
      %dma_wait3A_67 = arith.constant 0 : i32
      %dma_wait3A_68 = arith.constant 0 : i32
      %dma_wait3A_69 = arith.constant 0 : i32
      %dma_wait3A_70 = tpu.memref_slice %arg7[%dma_wait3A_66, %dma_wait3A_68, %dma_wait3A_69] : memref<2x128x128xf32, #tpu.memory_space<vmem>> -> memref<1x128x128xf32, #tpu.memory_space<vmem>>
      %dma_wait3A_71 = tpu.memref_squeeze %dma_wait3A_70 : memref<1x128x128xf32, #tpu.memory_space<vmem>> -> memref<128x128xf32, #tpu.memory_space<vmem>>
      %dma_wait3A_72 = arith.constant 0 : i32
      %dma_wait3A_73 = tpu.memref_slice %arg6[%add3A_57, %dma_wait3A_72] : memref<200x128xi32, #tpu.memory_space<vmem>> -> memref<1x128xi32, #tpu.memory_space<vmem>>
      %dma_wait3A_74 = tpu.memref_squeeze %dma_wait3A_73 : memref<1x128xi32, #tpu.memory_space<vmem>> -> memref<128xi32, #tpu.memory_space<vmem>>
      %dma_wait3A_75 = arith.constant 0 : i32
      %dma_wait3A_76 = arith.constant 0 : i32
      %dma_wait3A_77 = tpu.memref_slice %arg3[%dma_wait3A_75, %dma_wait3A_76] : memref<1000000x128xf32, #tpu.memory_space<hbm>> -> memref<1000000x128xf32, #tpu.memory_space<hbm>>
      %dma_wait3A_78 = tpu.memref_slice %arg10[%dma_wait3A_67] : memref<2x!tpu.dma_semaphore, #tpu.memory_space<semaphore_mem>> -> memref<1x!tpu.dma_semaphore, #tpu.memory_space<semaphore_mem>>
      %dma_wait3A_79 = tpu.memref_squeeze %dma_wait3A_78 : memref<1x!tpu.dma_semaphore, #tpu.memory_space<semaphore_mem>> -> memref<!tpu.dma_semaphore, #tpu.memory_space<semaphore_mem>>
      tpu.wait_indirect_dma semaphore(%dma_wait3A_79 : memref<!tpu.dma_semaphore, #tpu.memory_space<semaphore_mem>>) src(%dma_wait3A_77 : memref<1000000x128xf32, #tpu.memory_space<hbm>>) dst(%dma_wait3A_71 : memref<128x128xf32, #tpu.memory_space<vmem>>)
      %mul3A_80 = arith.constant 128 : i32
      %mul3A_81 = arith.muli %add3A_57, %mul3A_80 : i32
      %rem3A = arith.constant 200 : i32
      %rem3A_82 = arith.remsi %mul3A_81, %rem3A : i32
      %scan3A_83 = arith.constant 0 : i32
      %scan3A_84 = arith.constant 0 : i32
      %scan3A_85 = arith.constant 128 : i32
      %scan3A_86 = arith.addi %scan3A_84, %scan3A_85 : i32
      %scan3A_87 = arith.constant 4 : i32
      scf.for %scan3A_167 = %scan3A_84 to %scan3A_86 step %scan3A_87  : i32 {
        %add3A_168 = arith.addi %rem3A_82, %scan3A_167 : i32
        %ge3A_169 = arith.constant 200 : i32
        %ge3A_170 = arith.cmpi sge, %add3A_168, %ge3A_169 : i32
        %jit3A = arith.constant 200 : i32
        %jit3A_171 = arith.constant 0 : i32
        %select_n3A = arith.select %ge3A_170, %jit3A, %jit3A_171 : i32
        %sub3A = arith.subi %add3A_168, %select_n3A : i32
        %jit3A_172 = arith.constant 2 : i32
        %div3A = arith.divsi %sub3A, %jit3A_172 : i32
        %sign3A = arith.constant 0 : i32
        %sign3A_173 = arith.cmpi sgt, %sub3A, %sign3A : i32
        %sign3A_174 = arith.extui %sign3A_173 : i1 to i32
        %sign3A_175 = arith.constant 0 : i32
        %sign3A_176 = arith.cmpi slt, %sub3A, %sign3A_175 : i32
        %sign3A_177 = arith.extui %sign3A_176 : i1 to i32
        %sign3A_178 = arith.subi %sign3A_174, %sign3A_177 : i32
        %sign3A_179 = arith.constant 0 : i32
        %sign3A_180 = arith.cmpi sgt, %jit3A_172, %sign3A_179 : i32
        %sign3A_181 = arith.extui %sign3A_180 : i1 to i32
        %sign3A_182 = arith.constant 0 : i32
        %sign3A_183 = arith.cmpi slt, %jit3A_172, %sign3A_182 : i32
        %sign3A_184 = arith.extui %sign3A_183 : i1 to i32
        %sign3A_185 = arith.subi %sign3A_181, %sign3A_184 : i32
        %ne3A = arith.cmpi ne, %sign3A_178, %sign3A_185 : i32
        %rem3A_186 = arith.remsi %sub3A, %jit3A_172 : i32
        %ne3A_187 = arith.constant 0 : i32
        %ne3A_188 = arith.cmpi ne, %rem3A_186, %ne3A_187 : i32
        %and3A = arith.andi %ne3A, %ne3A_188 : i1
        %sub3A_189 = arith.constant 1 : i32
        %sub3A_190 = arith.subi %div3A, %sub3A_189 : i32
        %select_n3A_191 = arith.select %and3A, %sub3A_190, %div3A : i32
        %jit3A_192 = arith.constant 2 : i32
        %eq3A = arith.constant 0 : i32
        %eq3A_193 = arith.cmpi eq, %jit3A_192, %eq3A : i32
        %jit3A_194 = arith.constant 1 : i32
        %select_n3A_195 = arith.select %eq3A_193, %jit3A_194, %jit3A_192 : i32
        %rem3A_196 = arith.remsi %sub3A, %select_n3A_195 : i32
        %ne3A_197 = arith.constant 0 : i32
        %ne3A_198 = arith.cmpi ne, %rem3A_196, %ne3A_197 : i32
        %lt3A_199 = arith.constant 0 : i32
        %lt3A_200 = arith.cmpi slt, %rem3A_196, %lt3A_199 : i32
        %lt3A_201 = arith.constant 0 : i32
        %lt3A_202 = arith.cmpi slt, %select_n3A_195, %lt3A_201 : i32
        %ne3A_203 = arith.xori %lt3A_200, %lt3A_202 : i1
        %and3A_204 = arith.andi %ne3A_203, %ne3A_198 : i1
        %add3A_205 = arith.addi %rem3A_196, %select_n3A_195 : i32
        %select_n3A_206 = arith.select %and3A_204, %add3A_205, %rem3A_196 : i32
        %mul3A_207 = arith.constant 64 : i32
        %mul3A_208 = arith.muli %select_n3A_206, %mul3A_207 : i32
        %get3A = arith.constant 0 : i32
        %get3A_209 = arith.index_cast %get3A : i32 to index
        %get3A_210 = arith.index_cast %scan3A_167 : i32 to index
        %get3A_211 = arith.constant 0 : index
        %get3A_212 = tpu.vector_load %arg7[%get3A_209, %get3A_210, %get3A_211] {strides = array<i32>} : memref<2x128x128xf32, #tpu.memory_space<vmem>>, vector<1x1x16xf32>,
        %get3A_213 = vector.shape_cast %get3A_212 : vector<1x1x16xf32> to vector<16xf32>
        %mul3A_214 = arith.constant 8.000000e+00 : f32
        %mul3A_215 = vector.broadcast %mul3A_214 : f32 to vector<16xf32>
        %mul3A_216 = arith.mulf %get3A_213, %mul3A_215 : vector<16xf32>
        %add3A_217 = arith.constant 0 : i32
        %add3A_218 = arith.addi %mul3A_208, %add3A_217 : i32
        %get3A_219 = arith.index_cast %select_n3A_191 : i32 to index
        %get3A_220 = arith.index_cast %add3A_218 : i32 to index
        %get3A_221 = tpu.vector_load %arg9[%get3A_219, %get3A_220] {strides = array<i32>} : memref<100x128xf32, #tpu.memory_space<vmem>>, vector<1x16xf32>,
        %get3A_222 = vector.shape_cast %get3A_221 : vector<1x16xf32> to vector<16xf32>
        %add3A_223 = arith.addf %mul3A_216, %get3A_222 : vector<16xf32>
        %swap3A = arith.constant 0 : i32
        %swap3A_224 = arith.index_cast %swap3A : i32 to index
        %swap3A_225 = arith.index_cast %scan3A_167 : i32 to index
        %swap3A_226 = arith.constant 0 : index
        %swap3A_227 = tpu.vector_load %arg8[%swap3A_224, %swap3A_225, %swap3A_226] {strides = array<i32>} : memref<2x128x64xf32, #tpu.memory_space<vmem>>, vector<1x1x16xf32>,
        %swap3A_228 = vector.shape_cast %swap3A_227 : vector<1x1x16xf32> to vector<16xf32>
        %swap3A_229 = vector.shape_cast %add3A_223 : vector<16xf32> to vector<1x1x16xf32>
        tpu.vector_store %arg8[%swap3A_224, %swap3A_225, %swap3A_226], %swap3A_229 {strides = array<i32>} : memref<2x128x64xf32, #tpu.memory_space<vmem>>, vector<1x1x16xf32>,
        %get3A_230 = arith.constant 0 : i32
        %get3A_231 = arith.index_cast %get3A_230 : i32 to index
        %get3A_232 = arith.index_cast %scan3A_167 : i32 to index
        %get3A_233 = arith.constant 16 : index
        %get3A_234 = tpu.vector_load %arg7[%get3A_231, %get3A_232, %get3A_233] {strides = array<i32>} : memref<2x128x128xf32, #tpu.memory_space<vmem>>, vector<1x1x16xf32>,
        %get3A_235 = vector.shape_cast %get3A_234 : vector<1x1x16xf32> to vector<16xf32>
        %mul3A_236 = arith.constant 8.000000e+00 : f32
        %mul3A_237 = vector.broadcast %mul3A_236 : f32 to vector<16xf32>
        %mul3A_238 = arith.mulf %get3A_235, %mul3A_237 : vector<16xf32>
        %add3A_239 = arith.constant 16 : i32
        %add3A_240 = arith.addi %mul3A_208, %add3A_239 : i32
        %get3A_241 = arith.index_cast %select_n3A_191 : i32 to index
        %get3A_242 = arith.index_cast %add3A_240 : i32 to index
        %get3A_243 = tpu.vector_load %arg9[%get3A_241, %get3A_242] {strides = array<i32>} : memref<100x128xf32, #tpu.memory_space<vmem>>, vector<1x16xf32>,
        %get3A_244 = vector.shape_cast %get3A_243 : vector<1x16xf32> to vector<16xf32>
        %add3A_245 = arith.addf %mul3A_238, %get3A_244 : vector<16xf32>
        %swap3A_246 = arith.constant 0 : i32
        %swap3A_247 = arith.index_cast %swap3A_246 : i32 to index
        %swap3A_248 = arith.index_cast %scan3A_167 : i32 to index
        %swap3A_249 = arith.constant 16 : index
        %swap3A_250 = tpu.vector_load %arg8[%swap3A_247, %swap3A_248, %swap3A_249] {strides = array<i32>} : memref<2x128x64xf32, #tpu.memory_space<vmem>>, vector<1x1x16xf32>,
        %swap3A_251 = vector.shape_cast %swap3A_250 : vector<1x1x16xf32> to vector<16xf32>
        %swap3A_252 = vector.shape_cast %add3A_245 : vector<16xf32> to vector<1x1x16xf32>
        tpu.vector_store %arg8[%swap3A_247, %swap3A_248, %swap3A_249], %swap3A_252 {strides = array<i32>} : memref<2x128x64xf32, #tpu.memory_space<vmem>>, vector<1x1x16xf32>,
        %get3A_253 = arith.constant 0 : i32
        %get3A_254 = arith.index_cast %get3A_253 : i32 to index
        %get3A_255 = arith.index_cast %scan3A_167 : i32 to index
        %get3A_256 = arith.constant 32 : index
        %get3A_257 = tpu.vector_load %arg7[%get3A_254, %get3A_255, %get3A_256] {strides = array<i32>} : memref<2x128x128xf32, #tpu.memory_space<vmem>>, vector<1x1x16xf32>,
        %get3A_258 = vector.shape_cast %get3A_257 : vector<1x1x16xf32> to vector<16xf32>
        %mul3A_259 = arith.constant 8.000000e+00 : f32
        %mul3A_260 = vector.broadcast %mul3A_259 : f32 to vector<16xf32>
        %mul3A_261 = arith.mulf %get3A_258, %mul3A_260 : vector<16xf32>
        %add3A_262 = arith.constant 32 : i32
        %add3A_263 = arith.addi %mul3A_208, %add3A_262 : i32
        %get3A_264 = arith.index_cast %select_n3A_191 : i32 to index
        %get3A_265 = arith.index_cast %add3A_263 : i32 to index
        %get3A_266 = tpu.vector_load %arg9[%get3A_264, %get3A_265] {strides = array<i32>} : memref<100x128xf32, #tpu.memory_space<vmem>>, vector<1x16xf32>,
        %get3A_267 = vector.shape_cast %get3A_266 : vector<1x16xf32> to vector<16xf32>
        %add3A_268 = arith.addf %mul3A_261, %get3A_267 : vector<16xf32>
        %swap3A_269 = arith.constant 0 : i32
        %swap3A_270 = arith.index_cast %swap3A_269 : i32 to index
        %swap3A_271 = arith.index_cast %scan3A_167 : i32 to index
        %swap3A_272 = arith.constant 32 : index
        %swap3A_273 = tpu.vector_load %arg8[%swap3A_270, %swap3A_271, %swap3A_272] {strides = array<i32>} : memref<2x128x64xf32, #tpu.memory_space<vmem>>, vector<1x1x16xf32>,
        %swap3A_274 = vector.shape_cast %swap3A_273 : vector<1x1x16xf32> to vector<16xf32>
        %swap3A_275 = vector.shape_cast %add3A_268 : vector<16xf32> to vector<1x1x16xf32>
        tpu.vector_store %arg8[%swap3A_270, %swap3A_271, %swap3A_272], %swap3A_275 {strides = array<i32>} : memref<2x128x64xf32, #tpu.memory_space<vmem>>, vector<1x1x16xf32>,
        %get3A_276 = arith.constant 0 : i32
        %get3A_277 = arith.index_cast %get3A_276 : i32 to index
        %get3A_278 = arith.index_cast %scan3A_167 : i32 to index
        %get3A_279 = arith.constant 48 : index
        %get3A_280 = tpu.vector_load %arg7[%get3A_277, %get3A_278, %get3A_279] {strides = array<i32>} : memref<2x128x128xf32, #tpu.memory_space<vmem>>, vector<1x1x16xf32>,
        %get3A_281 = vector.shape_cast %get3A_280 : vector<1x1x16xf32> to vector<16xf32>
        %mul3A_282 = arith.constant 8.000000e+00 : f32
        %mul3A_283 = vector.broadcast %mul3A_282 : f32 to vector<16xf32>
        %mul3A_284 = arith.mulf %get3A_281, %mul3A_283 : vector<16xf32>
        %add3A_285 = arith.constant 48 : i32
        %add3A_286 = arith.addi %mul3A_208, %add3A_285 : i32
        %get3A_287 = arith.index_cast %select_n3A_191 : i32 to index
        %get3A_288 = arith.index_cast %add3A_286 : i32 to index
        %get3A_289 = tpu.vector_load %arg9[%get3A_287, %get3A_288] {strides = array<i32>} : memref<100x128xf32, #tpu.memory_space<vmem>>, vector<1x16xf32>,
        %get3A_290 = vector.shape_cast %get3A_289 : vector<1x16xf32> to vector<16xf32>
        %add3A_291 = arith.addf %mul3A_284, %get3A_290 : vector<16xf32>
        %swap3A_292 = arith.constant 0 : i32
        %swap3A_293 = arith.index_cast %swap3A_292 : i32 to index
        %swap3A_294 = arith.index_cast %scan3A_167 : i32 to index
        %swap3A_295 = arith.constant 48 : index
        %swap3A_296 = tpu.vector_load %arg8[%swap3A_293, %swap3A_294, %swap3A_295] {strides = array<i32>} : memref<2x128x64xf32, #tpu.memory_space<vmem>>, vector<1x1x16xf32>,
        %swap3A_297 = vector.shape_cast %swap3A_296 : vector<1x1x16xf32> to vector<16xf32>
        %swap3A_298 = vector.shape_cast %add3A_291 : vector<16xf32> to vector<1x1x16xf32>
        tpu.vector_store %arg8[%swap3A_293, %swap3A_294, %swap3A_295], %swap3A_298 {strides = array<i32>} : memref<2x128x64xf32, #tpu.memory_space<vmem>>, vector<1x1x16xf32>,
        %scan3A_299 = arith.constant 1 : i32
        %scan3A_300 = arith.addi %scan3A_167, %scan3A_299 : i32
        %add3A_301 = arith.addi %rem3A_82, %scan3A_300 : i32
        %ge3A_302 = arith.constant 200 : i32
        %ge3A_303 = arith.cmpi sge, %add3A_301, %ge3A_302 : i32
        %jit3A_304 = arith.constant 200 : i32
        %jit3A_305 = arith.constant 0 : i32
        %select_n3A_306 = arith.select %ge3A_303, %jit3A_304, %jit3A_305 : i32
        %sub3A_307 = arith.subi %add3A_301, %select_n3A_306 : i32
        %jit3A_308 = arith.constant 2 : i32
        %div3A_309 = arith.divsi %sub3A_307, %jit3A_308 : i32
        %sign3A_310 = arith.constant 0 : i32
        %sign3A_311 = arith.cmpi sgt, %sub3A_307, %sign3A_310 : i32
        %sign3A_312 = arith.extui %sign3A_311 : i1 to i32
        %sign3A_313 = arith.constant 0 : i32
        %sign3A_314 = arith.cmpi slt, %sub3A_307, %sign3A_313 : i32
        %sign3A_315 = arith.extui %sign3A_314 : i1 to i32
        %sign3A_316 = arith.subi %sign3A_312, %sign3A_315 : i32
        %sign3A_317 = arith.constant 0 : i32
        %sign3A_318 = arith.cmpi sgt, %jit3A_308, %sign3A_317 : i32
        %sign3A_319 = arith.extui %sign3A_318 : i1 to i32
        %sign3A_320 = arith.constant 0 : i32
        %sign3A_321 = arith.cmpi slt, %jit3A_308, %sign3A_320 : i32
        %sign3A_322 = arith.extui %sign3A_321 : i1 to i32
        %sign3A_323 = arith.subi %sign3A_319, %sign3A_322 : i32
        %ne3A_324 = arith.cmpi ne, %sign3A_316, %sign3A_323 : i32
        %rem3A_325 = arith.remsi %sub3A_307, %jit3A_308 : i32
        %ne3A_326 = arith.constant 0 : i32
        %ne3A_327 = arith.cmpi ne, %rem3A_325, %ne3A_326 : i32
        %and3A_328 = arith.andi %ne3A_324, %ne3A_327 : i1
        %sub3A_329 = arith.constant 1 : i32
        %sub3A_330 = arith.subi %div3A_309, %sub3A_329 : i32
        %select_n3A_331 = arith.select %and3A_328, %sub3A_330, %div3A_309 : i32
        %jit3A_332 = arith.constant 2 : i32
        %eq3A_333 = arith.constant 0 : i32
        %eq3A_334 = arith.cmpi eq, %jit3A_332, %eq3A_333 : i32
        %jit3A_335 = arith.constant 1 : i32
        %select_n3A_336 = arith.select %eq3A_334, %jit3A_335, %jit3A_332 : i32
        %rem3A_337 = arith.remsi %sub3A_307, %select_n3A_336 : i32
        %ne3A_338 = arith.constant 0 : i32
        %ne3A_339 = arith.cmpi ne, %rem3A_337, %ne3A_338 : i32
        %lt3A_340 = arith.constant 0 : i32
        %lt3A_341 = arith.cmpi slt, %rem3A_337, %lt3A_340 : i32
        %lt3A_342 = arith.constant 0 : i32
        %lt3A_343 = arith.cmpi slt, %select_n3A_336, %lt3A_342 : i32
        %ne3A_344 = arith.xori %lt3A_341, %lt3A_343 : i1
        %and3A_345 = arith.andi %ne3A_344, %ne3A_339 : i1
        %add3A_346 = arith.addi %rem3A_337, %select_n3A_336 : i32
        %select_n3A_347 = arith.select %and3A_345, %add3A_346, %rem3A_337 : i32
        %mul3A_348 = arith.constant 64 : i32
        %mul3A_349 = arith.muli %select_n3A_347, %mul3A_348 : i32
        %get3A_350 = arith.constant 0 : i32
        %get3A_351 = arith.index_cast %get3A_350 : i32 to index
        %get3A_352 = arith.index_cast %scan3A_300 : i32 to index
        %get3A_353 = arith.constant 0 : index
        %get3A_354 = tpu.vector_load %arg7[%get3A_351, %get3A_352, %get3A_353] {strides = array<i32>} : memref<2x128x128xf32, #tpu.memory_space<vmem>>, vector<1x1x16xf32>,
        %get3A_355 = vector.shape_cast %get3A_354 : vector<1x1x16xf32> to vector<16xf32>
        %mul3A_356 = arith.constant 8.000000e+00 : f32
        %mul3A_357 = vector.broadcast %mul3A_356 : f32 to vector<16xf32>
        %mul3A_358 = arith.mulf %get3A_355, %mul3A_357 : vector<16xf32>
        %add3A_359 = arith.constant 0 : i32
        %add3A_360 = arith.addi %mul3A_349, %add3A_359 : i32
        %get3A_361 = arith.index_cast %select_n3A_331 : i32 to index
        %get3A_362 = arith.index_cast %add3A_360 : i32 to index
        %get3A_363 = tpu.vector_load %arg9[%get3A_361, %get3A_362] {strides = array<i32>} : memref<100x128xf32, #tpu.memory_space<vmem>>, vector<1x16xf32>,
        %get3A_364 = vector.shape_cast %get3A_363 : vector<1x16xf32> to vector<16xf32>
        %add3A_365 = arith.addf %mul3A_358, %get3A_364 : vector<16xf32>
        %swap3A_366 = arith.constant 0 : i32
        %swap3A_367 = arith.index_cast %swap3A_366 : i32 to index
        %swap3A_368 = arith.index_cast %scan3A_300 : i32 to index
        %swap3A_369 = arith.constant 0 : index
        %swap3A_370 = tpu.vector_load %arg8[%swap3A_367, %swap3A_368, %swap3A_369] {strides = array<i32>} : memref<2x128x64xf32, #tpu.memory_space<vmem>>, vector<1x1x16xf32>,
        %swap3A_371 = vector.shape_cast %swap3A_370 : vector<1x1x16xf32> to vector<16xf32>
        %swap3A_372 = vector.shape_cast %add3A_365 : vector<16xf32> to vector<1x1x16xf32>
        tpu.vector_store %arg8[%swap3A_367, %swap3A_368, %swap3A_369], %swap3A_372 {strides = array<i32>} : memref<2x128x64xf32, #tpu.memory_space<vmem>>, vector<1x1x16xf32>,
        %get3A_373 = arith.constant 0 : i32
        %get3A_374 = arith.index_cast %get3A_373 : i32 to index
        %get3A_375 = arith.index_cast %scan3A_300 : i32 to index
        %get3A_376 = arith.constant 16 : index
        %get3A_377 = tpu.vector_load %arg7[%get3A_374, %get3A_375, %get3A_376] {strides = array<i32>} : memref<2x128x128xf32, #tpu.memory_space<vmem>>, vector<1x1x16xf32>,
        %get3A_378 = vector.shape_cast %get3A_377 : vector<1x1x16xf32> to vector<16xf32>
        %mul3A_379 = arith.constant 8.000000e+00 : f32
        %mul3A_380 = vector.broadcast %mul3A_379 : f32 to vector<16xf32>
        %mul3A_381 = arith.mulf %get3A_378, %mul3A_380 : vector<16xf32>
        %add3A_382 = arith.constant 16 : i32
        %add3A_383 = arith.addi %mul3A_349, %add3A_382 : i32
        %get3A_384 = arith.index_cast %select_n3A_331 : i32 to index
        %get3A_385 = arith.index_cast %add3A_383 : i32 to index
        %get3A_386 = tpu.vector_load %arg9[%get3A_384, %get3A_385] {strides = array<i32>} : memref<100x128xf32, #tpu.memory_space<vmem>>, vector<1x16xf32>,
        %get3A_387 = vector.shape_cast %get3A_386 : vector<1x16xf32> to vector<16xf32>
        %add3A_388 = arith.addf %mul3A_381, %get3A_387 : vector<16xf32>
        %swap3A_389 = arith.constant 0 : i32
        %swap3A_390 = arith.index_cast %swap3A_389 : i32 to index
        %swap3A_391 = arith.index_cast %scan3A_300 : i32 to index
        %swap3A_392 = arith.constant 16 : index
        %swap3A_393 = tpu.vector_load %arg8[%swap3A_390, %swap3A_391, %swap3A_392] {strides = array<i32>} : memref<2x128x64xf32, #tpu.memory_space<vmem>>, vector<1x1x16xf32>,
        %swap3A_394 = vector.shape_cast %swap3A_393 : vector<1x1x16xf32> to vector<16xf32>
        %swap3A_395 = vector.shape_cast %add3A_388 : vector<16xf32> to vector<1x1x16xf32>
        tpu.vector_store %arg8[%swap3A_390, %swap3A_391, %swap3A_392], %swap3A_395 {strides = array<i32>} : memref<2x128x64xf32, #tpu.memory_space<vmem>>, vector<1x1x16xf32>,
        %get3A_396 = arith.constant 0 : i32
        %get3A_397 = arith.index_cast %get3A_396 : i32 to index
        %get3A_398 = arith.index_cast %scan3A_300 : i32 to index
        %get3A_399 = arith.constant 32 : index
        %get3A_400 = tpu.vector_load %arg7[%get3A_397, %get3A_398, %get3A_399] {strides = array<i32>} : memref<2x128x128xf32, #tpu.memory_space<vmem>>, vector<1x1x16xf32>,
        %get3A_401 = vector.shape_cast %get3A_400 : vector<1x1x16xf32> to vector<16xf32>
        %mul3A_402 = arith.constant 8.000000e+00 : f32
        %mul3A_403 = vector.broadcast %mul3A_402 : f32 to vector<16xf32>
        %mul3A_404 = arith.mulf %get3A_401, %mul3A_403 : vector<16xf32>
        %add3A_405 = arith.constant 32 : i32
        %add3A_406 = arith.addi %mul3A_349, %add3A_405 : i32
        %get3A_407 = arith.index_cast %select_n3A_331 : i32 to index
        %get3A_408 = arith.index_cast %add3A_406 : i32 to index
        %get3A_409 = tpu.vector_load %arg9[%get3A_407, %get3A_408] {strides = array<i32>} : memref<100x128xf32, #tpu.memory_space<vmem>>, vector<1x16xf32>,
        %get3A_410 = vector.shape_cast %get3A_409 : vector<1x16xf32> to vector<16xf32>
        %add3A_411 = arith.addf %mul3A_404, %get3A_410 : vector<16xf32>
        %swap3A_412 = arith.constant 0 : i32
        %swap3A_413 = arith.index_cast %swap3A_412 : i32 to index
        %swap3A_414 = arith.index_cast %scan3A_300 : i32 to index
        %swap3A_415 = arith.constant 32 : index
        %swap3A_416 = tpu.vector_load %arg8[%swap3A_413, %swap3A_414, %swap3A_415] {strides = array<i32>} : memref<2x128x64xf32, #tpu.memory_space<vmem>>, vector<1x1x16xf32>,
        %swap3A_417 = vector.shape_cast %swap3A_416 : vector<1x1x16xf32> to vector<16xf32>
        %swap3A_418 = vector.shape_cast %add3A_411 : vector<16xf32> to vector<1x1x16xf32>
        tpu.vector_store %arg8[%swap3A_413, %swap3A_414, %swap3A_415], %swap3A_418 {strides = array<i32>} : memref<2x128x64xf32, #tpu.memory_space<vmem>>, vector<1x1x16xf32>,
        %get3A_419 = arith.constant 0 : i32
        %get3A_420 = arith.index_cast %get3A_419 : i32 to index
        %get3A_421 = arith.index_cast %scan3A_300 : i32 to index
        %get3A_422 = arith.constant 48 : index
        %get3A_423 = tpu.vector_load %arg7[%get3A_420, %get3A_421, %get3A_422] {strides = array<i32>} : memref<2x128x128xf32, #tpu.memory_space<vmem>>, vector<1x1x16xf32>,
        %get3A_424 = vector.shape_cast %get3A_423 : vector<1x1x16xf32> to vector<16xf32>
        %mul3A_425 = arith.constant 8.000000e+00 : f32
        %mul3A_426 = vector.broadcast %mul3A_425 : f32 to vector<16xf32>
        %mul3A_427 = arith.mulf %get3A_424, %mul3A_426 : vector<16xf32>
        %add3A_428 = arith.constant 48 : i32
        %add3A_429 = arith.addi %mul3A_349, %add3A_428 : i32
        %get3A_430 = arith.index_cast %select_n3A_331 : i32 to index
        %get3A_431 = arith.index_cast %add3A_429 : i32 to index
        %get3A_432 = tpu.vector_load %arg9[%get3A_430, %get3A_431] {strides = array<i32>} : memref<100x128xf32, #tpu.memory_space<vmem>>, vector<1x16xf32>,
        %get3A_433 = vector.shape_cast %get3A_432 : vector<1x16xf32> to vector<16xf32>
        %add3A_434 = arith.addf %mul3A_427, %get3A_433 : vector<16xf32>
        %swap3A_435 = arith.constant 0 : i32
        %swap3A_436 = arith.index_cast %swap3A_435 : i32 to index
        %swap3A_437 = arith.index_cast %scan3A_300 : i32 to index
        %swap3A_438 = arith.constant 48 : index
        %swap3A_439 = tpu.vector_load %arg8[%swap3A_436, %swap3A_437, %swap3A_438] {strides = array<i32>} : memref<2x128x64xf32, #tpu.memory_space<vmem>>, vector<1x1x16xf32>,
        %swap3A_440 = vector.shape_cast %swap3A_439 : vector<1x1x16xf32> to vector<16xf32>
        %swap3A_441 = vector.shape_cast %add3A_434 : vector<16xf32> to vector<1x1x16xf32>
        tpu.vector_store %arg8[%swap3A_436, %swap3A_437, %swap3A_438], %swap3A_441 {strides = array<i32>} : memref<2x128x64xf32, #tpu.memory_space<vmem>>, vector<1x1x16xf32>,
        %scan3A_442 = arith.constant 2 : i32
        %scan3A_443 = arith.addi %scan3A_167, %scan3A_442 : i32
        %add3A_444 = arith.addi %rem3A_82, %scan3A_443 : i32
        %ge3A_445 = arith.constant 200 : i32
        %ge3A_446 = arith.cmpi sge, %add3A_444, %ge3A_445 : i32
        %jit3A_447 = arith.constant 200 : i32
        %jit3A_448 = arith.constant 0 : i32
        %select_n3A_449 = arith.select %ge3A_446, %jit3A_447, %jit3A_448 : i32
        %sub3A_450 = arith.subi %add3A_444, %select_n3A_449 : i32
        %jit3A_451 = arith.constant 2 : i32
        %div3A_452 = arith.divsi %sub3A_450, %jit3A_451 : i32
        %sign3A_453 = arith.constant 0 : i32
        %sign3A_454 = arith.cmpi sgt, %sub3A_450, %sign3A_453 : i32
        %sign3A_455 = arith.extui %sign3A_454 : i1 to i32
        %sign3A_456 = arith.constant 0 : i32
        %sign3A_457 = arith.cmpi slt, %sub3A_450, %sign3A_456 : i32
        %sign3A_458 = arith.extui %sign3A_457 : i1 to i32
        %sign3A_459 = arith.subi %sign3A_455, %sign3A_458 : i32
        %sign3A_460 = arith.constant 0 : i32
        %sign3A_461 = arith.cmpi sgt, %jit3A_451, %sign3A_460 : i32
        %sign3A_462 = arith.extui %sign3A_461 : i1 to i32
        %sign3A_463 = arith.constant 0 : i32
        %sign3A_464 = arith.cmpi slt, %jit3A_451, %sign3A_463 : i32
        %sign3A_465 = arith.extui %sign3A_464 : i1 to i32
        %sign3A_466 = arith.subi %sign3A_462, %sign3A_465 : i32
        %ne3A_467 = arith.cmpi ne, %sign3A_459, %sign3A_466 : i32
        %rem3A_468 = arith.remsi %sub3A_450, %jit3A_451 : i32
        %ne3A_469 = arith.constant 0 : i32
        %ne3A_470 = arith.cmpi ne, %rem3A_468, %ne3A_469 : i32
        %and3A_471 = arith.andi %ne3A_467, %ne3A_470 : i1
        %sub3A_472 = arith.constant 1 : i32
        %sub3A_473 = arith.subi %div3A_452, %sub3A_472 : i32
        %select_n3A_474 = arith.select %and3A_471, %sub3A_473, %div3A_452 : i32
        %jit3A_475 = arith.constant 2 : i32
        %eq3A_476 = arith.constant 0 : i32
        %eq3A_477 = arith.cmpi eq, %jit3A_475, %eq3A_476 : i32
        %jit3A_478 = arith.constant 1 : i32
        %select_n3A_479 = arith.select %eq3A_477, %jit3A_478, %jit3A_475 : i32
        %rem3A_480 = arith.remsi %sub3A_450, %select_n3A_479 : i32
        %ne3A_481 = arith.constant 0 : i32
        %ne3A_482 = arith.cmpi ne, %rem3A_480, %ne3A_481 : i32
        %lt3A_483 = arith.constant 0 : i32
        %lt3A_484 = arith.cmpi slt, %rem3A_480, %lt3A_483 : i32
        %lt3A_485 = arith.constant 0 : i32
        %lt3A_486 = arith.cmpi slt, %select_n3A_479, %lt3A_485 : i32
        %ne3A_487 = arith.xori %lt3A_484, %lt3A_486 : i1
        %and3A_488 = arith.andi %ne3A_487, %ne3A_482 : i1
        %add3A_489 = arith.addi %rem3A_480, %select_n3A_479 : i32
        %select_n3A_490 = arith.select %and3A_488, %add3A_489, %rem3A_480 : i32
        %mul3A_491 = arith.constant 64 : i32
        %mul3A_492 = arith.muli %select_n3A_490, %mul3A_491 : i32
        %get3A_493 = arith.constant 0 : i32
        %get3A_494 = arith.index_cast %get3A_493 : i32 to index
        %get3A_495 = arith.index_cast %scan3A_443 : i32 to index
        %get3A_496 = arith.constant 0 : index
        %get3A_497 = tpu.vector_load %arg7[%get3A_494, %get3A_495, %get3A_496] {strides = array<i32>} : memref<2x128x128xf32, #tpu.memory_space<vmem>>, vector<1x1x16xf32>,
        %get3A_498 = vector.shape_cast %get3A_497 : vector<1x1x16xf32> to vector<16xf32>
        %mul3A_499 = arith.constant 8.000000e+00 : f32
        %mul3A_500 = vector.broadcast %mul3A_499 : f32 to vector<16xf32>
        %mul3A_501 = arith.mulf %get3A_498, %mul3A_500 : vector<16xf32>
        %add3A_502 = arith.constant 0 : i32
        %add3A_503 = arith.addi %mul3A_492, %add3A_502 : i32
        %get3A_504 = arith.index_cast %select_n3A_474 : i32 to index
        %get3A_505 = arith.index_cast %add3A_503 : i32 to index
        %get3A_506 = tpu.vector_load %arg9[%get3A_504, %get3A_505] {strides = array<i32>} : memref<100x128xf32, #tpu.memory_space<vmem>>, vector<1x16xf32>,
        %get3A_507 = vector.shape_cast %get3A_506 : vector<1x16xf32> to vector<16xf32>
        %add3A_508 = arith.addf %mul3A_501, %get3A_507 : vector<16xf32>
        %swap3A_509 = arith.constant 0 : i32
        %swap3A_510 = arith.index_cast %swap3A_509 : i32 to index
        %swap3A_511 = arith.index_cast %scan3A_443 : i32 to index
        %swap3A_512 = arith.constant 0 : index
        %swap3A_513 = tpu.vector_load %arg8[%swap3A_510, %swap3A_511, %swap3A_512] {strides = array<i32>} : memref<2x128x64xf32, #tpu.memory_space<vmem>>, vector<1x1x16xf32>,
        %swap3A_514 = vector.shape_cast %swap3A_513 : vector<1x1x16xf32> to vector<16xf32>
        %swap3A_515 = vector.shape_cast %add3A_508 : vector<16xf32> to vector<1x1x16xf32>
        tpu.vector_store %arg8[%swap3A_510, %swap3A_511, %swap3A_512], %swap3A_515 {strides = array<i32>} : memref<2x128x64xf32, #tpu.memory_space<vmem>>, vector<1x1x16xf32>,
        %get3A_516 = arith.constant 0 : i32
        %get3A_517 = arith.index_cast %get3A_516 : i32 to index
        %get3A_518 = arith.index_cast %scan3A_443 : i32 to index
        %get3A_519 = arith.constant 16 : index
        %get3A_520 = tpu.vector_load %arg7[%get3A_517, %get3A_518, %get3A_519] {strides = array<i32>} : memref<2x128x128xf32, #tpu.memory_space<vmem>>, vector<1x1x16xf32>,
        %get3A_521 = vector.shape_cast %get3A_520 : vector<1x1x16xf32> to vector<16xf32>
        %mul3A_522 = arith.constant 8.000000e+00 : f32
        %mul3A_523 = vector.broadcast %mul3A_522 : f32 to vector<16xf32>
        %mul3A_524 = arith.mulf %get3A_521, %mul3A_523 : vector<16xf32>
        %add3A_525 = arith.constant 16 : i32
        %add3A_526 = arith.addi %mul3A_492, %add3A_525 : i32
        %get3A_527 = arith.index_cast %select_n3A_474 : i32 to index
        %get3A_528 = arith.index_cast %add3A_526 : i32 to index
        %get3A_529 = tpu.vector_load %arg9[%get3A_527, %get3A_528] {strides = array<i32>} : memref<100x128xf32, #tpu.memory_space<vmem>>, vector<1x16xf32>,
        %get3A_530 = vector.shape_cast %get3A_529 : vector<1x16xf32> to vector<16xf32>
        %add3A_531 = arith.addf %mul3A_524, %get3A_530 : vector<16xf32>
        %swap3A_532 = arith.constant 0 : i32
        %swap3A_533 = arith.index_cast %swap3A_532 : i32 to index
        %swap3A_534 = arith.index_cast %scan3A_443 : i32 to index
        %swap3A_535 = arith.constant 16 : index
        %swap3A_536 = tpu.vector_load %arg8[%swap3A_533, %swap3A_534, %swap3A_535] {strides = array<i32>} : memref<2x128x64xf32, #tpu.memory_space<vmem>>, vector<1x1x16xf32>,
        %swap3A_537 = vector.shape_cast %swap3A_536 : vector<1x1x16xf32> to vector<16xf32>
        %swap3A_538 = vector.shape_cast %add3A_531 : vector<16xf32> to vector<1x1x16xf32>
        tpu.vector_store %arg8[%swap3A_533, %swap3A_534, %swap3A_535], %swap3A_538 {strides = array<i32>} : memref<2x128x64xf32, #tpu.memory_space<vmem>>, vector<1x1x16xf32>,
        %get3A_539 = arith.constant 0 : i32
        %get3A_540 = arith.index_cast %get3A_539 : i32 to index
        %get3A_541 = arith.index_cast %scan3A_443 : i32 to index
        %get3A_542 = arith.constant 32 : index
        %get3A_543 = tpu.vector_load %arg7[%get3A_540, %get3A_541, %get3A_542] {strides = array<i32>} : memref<2x128x128xf32, #tpu.memory_space<vmem>>, vector<1x1x16xf32>,
        %get3A_544 = vector.shape_cast %get3A_543 : vector<1x1x16xf32> to vector<16xf32>
        %mul3A_545 = arith.constant 8.000000e+00 : f32
        %mul3A_546 = vector.broadcast %mul3A_545 : f32 to vector<16xf32>
        %mul3A_547 = arith.mulf %get3A_544, %mul3A_546 : vector<16xf32>
        %add3A_548 = arith.constant 32 : i32
        %add3A_549 = arith.addi %mul3A_492, %add3A_548 : i32
        %get3A_550 = arith.index_cast %select_n3A_474 : i32 to index
        %get3A_551 = arith.index_cast %add3A_549 : i32 to index
        %get3A_552 = tpu.vector_load %arg9[%get3A_550, %get3A_551] {strides = array<i32>} : memref<100x128xf32, #tpu.memory_space<vmem>>, vector<1x16xf32>,
        %get3A_553 = vector.shape_cast %get3A_552 : vector<1x16xf32> to vector<16xf32>
        %add3A_554 = arith.addf %mul3A_547, %get3A_553 : vector<16xf32>
        %swap3A_555 = arith.constant 0 : i32
        %swap3A_556 = arith.index_cast %swap3A_555 : i32 to index
        %swap3A_557 = arith.index_cast %scan3A_443 : i32 to index
        %swap3A_558 = arith.constant 32 : index
        %swap3A_559 = tpu.vector_load %arg8[%swap3A_556, %swap3A_557, %swap3A_558] {strides = array<i32>} : memref<2x128x64xf32, #tpu.memory_space<vmem>>, vector<1x1x16xf32>,
        %swap3A_560 = vector.shape_cast %swap3A_559 : vector<1x1x16xf32> to vector<16xf32>
        %swap3A_561 = vector.shape_cast %add3A_554 : vector<16xf32> to vector<1x1x16xf32>
        tpu.vector_store %arg8[%swap3A_556, %swap3A_557, %swap3A_558], %swap3A_561 {strides = array<i32>} : memref<2x128x64xf32, #tpu.memory_space<vmem>>, vector<1x1x16xf32>,
        %get3A_562 = arith.constant 0 : i32
        %get3A_563 = arith.index_cast %get3A_562 : i32 to index
        %get3A_564 = arith.index_cast %scan3A_443 : i32 to index
        %get3A_565 = arith.constant 48 : index
        %get3A_566 = tpu.vector_load %arg7[%get3A_563, %get3A_564, %get3A_565] {strides = array<i32>} : memref<2x128x128xf32, #tpu.memory_space<vmem>>, vector<1x1x16xf32>,
        %get3A_567 = vector.shape_cast %get3A_566 : vector<1x1x16xf32> to vector<16xf32>
        %mul3A_568 = arith.constant 8.000000e+00 : f32
        %mul3A_569 = vector.broadcast %mul3A_568 : f32 to vector<16xf32>
        %mul3A_570 = arith.mulf %get3A_567, %mul3A_569 : vector<16xf32>
        %add3A_571 = arith.constant 48 : i32
        %add3A_572 = arith.addi %mul3A_492, %add3A_571 : i32
        %get3A_573 = arith.index_cast %select_n3A_474 : i32 to index
        %get3A_574 = arith.index_cast %add3A_572 : i32 to index
        %get3A_575 = tpu.vector_load %arg9[%get3A_573, %get3A_574] {strides = array<i32>} : memref<100x128xf32, #tpu.memory_space<vmem>>, vector<1x16xf32>,
        %get3A_576 = vector.shape_cast %get3A_575 : vector<1x16xf32> to vector<16xf32>
        %add3A_577 = arith.addf %mul3A_570, %get3A_576 : vector<16xf32>
        %swap3A_578 = arith.constant 0 : i32
        %swap3A_579 = arith.index_cast %swap3A_578 : i32 to index
        %swap3A_580 = arith.index_cast %scan3A_443 : i32 to index
        %swap3A_581 = arith.constant 48 : index
        %swap3A_582 = tpu.vector_load %arg8[%swap3A_579, %swap3A_580, %swap3A_581] {strides = array<i32>} : memref<2x128x64xf32, #tpu.memory_space<vmem>>, vector<1x1x16xf32>,
        %swap3A_583 = vector.shape_cast %swap3A_582 : vector<1x1x16xf32> to vector<16xf32>
        %swap3A_584 = vector.shape_cast %add3A_577 : vector<16xf32> to vector<1x1x16xf32>
        tpu.vector_store %arg8[%swap3A_579, %swap3A_580, %swap3A_581], %swap3A_584 {strides = array<i32>} : memref<2x128x64xf32, #tpu.memory_space<vmem>>, vector<1x1x16xf32>,
        %scan3A_585 = arith.constant 3 : i32
        %scan3A_586 = arith.addi %scan3A_167, %scan3A_585 : i32
        %add3A_587 = arith.addi %rem3A_82, %scan3A_586 : i32
        %ge3A_588 = arith.constant 200 : i32
        %ge3A_589 = arith.cmpi sge, %add3A_587, %ge3A_588 : i32
        %jit3A_590 = arith.constant 200 : i32
        %jit3A_591 = arith.constant 0 : i32
        %select_n3A_592 = arith.select %ge3A_589, %jit3A_590, %jit3A_591 : i32
        %sub3A_593 = arith.subi %add3A_587, %select_n3A_592 : i32
        %jit3A_594 = arith.constant 2 : i32
        %div3A_595 = arith.divsi %sub3A_593, %jit3A_594 : i32
        %sign3A_596 = arith.constant 0 : i32
        %sign3A_597 = arith.cmpi sgt, %sub3A_593, %sign3A_596 : i32
        %sign3A_598 = arith.extui %sign3A_597 : i1 to i32
        %sign3A_599 = arith.constant 0 : i32
        %sign3A_600 = arith.cmpi slt, %sub3A_593, %sign3A_599 : i32
        %sign3A_601 = arith.extui %sign3A_600 : i1 to i32
        %sign3A_602 = arith.subi %sign3A_598, %sign3A_601 : i32
        %sign3A_603 = arith.constant 0 : i32
        %sign3A_604 = arith.cmpi sgt, %jit3A_594, %sign3A_603 : i32
        %sign3A_605 = arith.extui %sign3A_604 : i1 to i32
        %sign3A_606 = arith.constant 0 : i32
        %sign3A_607 = arith.cmpi slt, %jit3A_594, %sign3A_606 : i32
        %sign3A_608 = arith.extui %sign3A_607 : i1 to i32
        %sign3A_609 = arith.subi %sign3A_605, %sign3A_608 : i32
        %ne3A_610 = arith.cmpi ne, %sign3A_602, %sign3A_609 : i32
        %rem3A_611 = arith.remsi %sub3A_593, %jit3A_594 : i32
        %ne3A_612 = arith.constant 0 : i32
        %ne3A_613 = arith.cmpi ne, %rem3A_611, %ne3A_612 : i32
        %and3A_614 = arith.andi %ne3A_610, %ne3A_613 : i1
        %sub3A_615 = arith.constant 1 : i32
        %sub3A_616 = arith.subi %div3A_595, %sub3A_615 : i32
        %select_n3A_617 = arith.select %and3A_614, %sub3A_616, %div3A_595 : i32
        %jit3A_618 = arith.constant 2 : i32
        %eq3A_619 = arith.constant 0 : i32
        %eq3A_620 = arith.cmpi eq, %jit3A_618, %eq3A_619 : i32
        %jit3A_621 = arith.constant 1 : i32
        %select_n3A_622 = arith.select %eq3A_620, %jit3A_621, %jit3A_618 : i32
        %rem3A_623 = arith.remsi %sub3A_593, %select_n3A_622 : i32
        %ne3A_624 = arith.constant 0 : i32
        %ne3A_625 = arith.cmpi ne, %rem3A_623, %ne3A_624 : i32
        %lt3A_626 = arith.constant 0 : i32
        %lt3A_627 = arith.cmpi slt, %rem3A_623, %lt3A_626 : i32
        %lt3A_628 = arith.constant 0 : i32
        %lt3A_629 = arith.cmpi slt, %select_n3A_622, %lt3A_628 : i32
        %ne3A_630 = arith.xori %lt3A_627, %lt3A_629 : i1
        %and3A_631 = arith.andi %ne3A_630, %ne3A_625 : i1
        %add3A_632 = arith.addi %rem3A_623, %select_n3A_622 : i32
        %select_n3A_633 = arith.select %and3A_631, %add3A_632, %rem3A_623 : i32
        %mul3A_634 = arith.constant 64 : i32
        %mul3A_635 = arith.muli %select_n3A_633, %mul3A_634 : i32
        %get3A_636 = arith.constant 0 : i32
        %get3A_637 = arith.index_cast %get3A_636 : i32 to index
        %get3A_638 = arith.index_cast %scan3A_586 : i32 to index
        %get3A_639 = arith.constant 0 : index
        %get3A_640 = tpu.vector_load %arg7[%get3A_637, %get3A_638, %get3A_639] {strides = array<i32>} : memref<2x128x128xf32, #tpu.memory_space<vmem>>, vector<1x1x16xf32>,
        %get3A_641 = vector.shape_cast %get3A_640 : vector<1x1x16xf32> to vector<16xf32>
        %mul3A_642 = arith.constant 8.000000e+00 : f32
        %mul3A_643 = vector.broadcast %mul3A_642 : f32 to vector<16xf32>
        %mul3A_644 = arith.mulf %get3A_641, %mul3A_643 : vector<16xf32>
        %add3A_645 = arith.constant 0 : i32
        %add3A_646 = arith.addi %mul3A_635, %add3A_645 : i32
        %get3A_647 = arith.index_cast %select_n3A_617 : i32 to index
        %get3A_648 = arith.index_cast %add3A_646 : i32 to index
        %get3A_649 = tpu.vector_load %arg9[%get3A_647, %get3A_648] {strides = array<i32>} : memref<100x128xf32, #tpu.memory_space<vmem>>, vector<1x16xf32>,
        %get3A_650 = vector.shape_cast %get3A_649 : vector<1x16xf32> to vector<16xf32>
        %add3A_651 = arith.addf %mul3A_644, %get3A_650 : vector<16xf32>
        %swap3A_652 = arith.constant 0 : i32
        %swap3A_653 = arith.index_cast %swap3A_652 : i32 to index
        %swap3A_654 = arith.index_cast %scan3A_586 : i32 to index
        %swap3A_655 = arith.constant 0 : index
        %swap3A_656 = tpu.vector_load %arg8[%swap3A_653, %swap3A_654, %swap3A_655] {strides = array<i32>} : memref<2x128x64xf32, #tpu.memory_space<vmem>>, vector<1x1x16xf32>,
        %swap3A_657 = vector.shape_cast %swap3A_656 : vector<1x1x16xf32> to vector<16xf32>
        %swap3A_658 = vector.shape_cast %add3A_651 : vector<16xf32> to vector<1x1x16xf32>
        tpu.vector_store %arg8[%swap3A_653, %swap3A_654, %swap3A_655], %swap3A_658 {strides = array<i32>} : memref<2x128x64xf32, #tpu.memory_space<vmem>>, vector<1x1x16xf32>,
        %get3A_659 = arith.constant 0 : i32
        %get3A_660 = arith.index_cast %get3A_659 : i32 to index
        %get3A_661 = arith.index_cast %scan3A_586 : i32 to index
        %get3A_662 = arith.constant 16 : index
        %get3A_663 = tpu.vector_load %arg7[%get3A_660, %get3A_661, %get3A_662] {strides = array<i32>} : memref<2x128x128xf32, #tpu.memory_space<vmem>>, vector<1x1x16xf32>,
        %get3A_664 = vector.shape_cast %get3A_663 : vector<1x1x16xf32> to vector<16xf32>
        %mul3A_665 = arith.constant 8.000000e+00 : f32
        %mul3A_666 = vector.broadcast %mul3A_665 : f32 to vector<16xf32>
        %mul3A_667 = arith.mulf %get3A_664, %mul3A_666 : vector<16xf32>
        %add3A_668 = arith.constant 16 : i32
        %add3A_669 = arith.addi %mul3A_635, %add3A_668 : i32
        %get3A_670 = arith.index_cast %select_n3A_617 : i32 to index
        %get3A_671 = arith.index_cast %add3A_669 : i32 to index
        %get3A_672 = tpu.vector_load %arg9[%get3A_670, %get3A_671] {strides = array<i32>} : memref<100x128xf32, #tpu.memory_space<vmem>>, vector<1x16xf32>,
        %get3A_673 = vector.shape_cast %get3A_672 : vector<1x16xf32> to vector<16xf32>
        %add3A_674 = arith.addf %mul3A_667, %get3A_673 : vector<16xf32>
        %swap3A_675 = arith.constant 0 : i32
        %swap3A_676 = arith.index_cast %swap3A_675 : i32 to index
        %swap3A_677 = arith.index_cast %scan3A_586 : i32 to index
        %swap3A_678 = arith.constant 16 : index
        %swap3A_679 = tpu.vector_load %arg8[%swap3A_676, %swap3A_677, %swap3A_678] {strides = array<i32>} : memref<2x128x64xf32, #tpu.memory_space<vmem>>, vector<1x1x16xf32>,
        %swap3A_680 = vector.shape_cast %swap3A_679 : vector<1x1x16xf32> to vector<16xf32>
        %swap3A_681 = vector.shape_cast %add3A_674 : vector<16xf32> to vector<1x1x16xf32>
        tpu.vector_store %arg8[%swap3A_676, %swap3A_677, %swap3A_678], %swap3A_681 {strides = array<i32>} : memref<2x128x64xf32, #tpu.memory_space<vmem>>, vector<1x1x16xf32>,
        %get3A_682 = arith.constant 0 : i32
        %get3A_683 = arith.index_cast %get3A_682 : i32 to index
        %get3A_684 = arith.index_cast %scan3A_586 : i32 to index
        %get3A_685 = arith.constant 32 : index
        %get3A_686 = tpu.vector_load %arg7[%get3A_683, %get3A_684, %get3A_685] {strides = array<i32>} : memref<2x128x128xf32, #tpu.memory_space<vmem>>, vector<1x1x16xf32>,
        %get3A_687 = vector.shape_cast %get3A_686 : vector<1x1x16xf32> to vector<16xf32>
        %mul3A_688 = arith.constant 8.000000e+00 : f32
        %mul3A_689 = vector.broadcast %mul3A_688 : f32 to vector<16xf32>
        %mul3A_690 = arith.mulf %get3A_687, %mul3A_689 : vector<16xf32>
        %add3A_691 = arith.constant 32 : i32
        %add3A_692 = arith.addi %mul3A_635, %add3A_691 : i32
        %get3A_693 = arith.index_cast %select_n3A_617 : i32 to index
        %get3A_694 = arith.index_cast %add3A_692 : i32 to index
        %get3A_695 = tpu.vector_load %arg9[%get3A_693, %get3A_694] {strides = array<i32>} : memref<100x128xf32, #tpu.memory_space<vmem>>, vector<1x16xf32>,
        %get3A_696 = vector.shape_cast %get3A_695 : vector<1x16xf32> to vector<16xf32>
        %add3A_697 = arith.addf %mul3A_690, %get3A_696 : vector<16xf32>
        %swap3A_698 = arith.constant 0 : i32
        %swap3A_699 = arith.index_cast %swap3A_698 : i32 to index
        %swap3A_700 = arith.index_cast %scan3A_586 : i32 to index
        %swap3A_701 = arith.constant 32 : index
        %swap3A_702 = tpu.vector_load %arg8[%swap3A_699, %swap3A_700, %swap3A_701] {strides = array<i32>} : memref<2x128x64xf32, #tpu.memory_space<vmem>>, vector<1x1x16xf32>,
        %swap3A_703 = vector.shape_cast %swap3A_702 : vector<1x1x16xf32> to vector<16xf32>
        %swap3A_704 = vector.shape_cast %add3A_697 : vector<16xf32> to vector<1x1x16xf32>
        tpu.vector_store %arg8[%swap3A_699, %swap3A_700, %swap3A_701], %swap3A_704 {strides = array<i32>} : memref<2x128x64xf32, #tpu.memory_space<vmem>>, vector<1x1x16xf32>,
        %get3A_705 = arith.constant 0 : i32
        %get3A_706 = arith.index_cast %get3A_705 : i32 to index
        %get3A_707 = arith.index_cast %scan3A_586 : i32 to index
        %get3A_708 = arith.constant 48 : index
        %get3A_709 = tpu.vector_load %arg7[%get3A_706, %get3A_707, %get3A_708] {strides = array<i32>} : memref<2x128x128xf32, #tpu.memory_space<vmem>>, vector<1x1x16xf32>,
        %get3A_710 = vector.shape_cast %get3A_709 : vector<1x1x16xf32> to vector<16xf32>
        %mul3A_711 = arith.constant 8.000000e+00 : f32
        %mul3A_712 = vector.broadcast %mul3A_711 : f32 to vector<16xf32>
        %mul3A_713 = arith.mulf %get3A_710, %mul3A_712 : vector<16xf32>
        %add3A_714 = arith.constant 48 : i32
        %add3A_715 = arith.addi %mul3A_635, %add3A_714 : i32
        %get3A_716 = arith.index_cast %select_n3A_617 : i32 to index
        %get3A_717 = arith.index_cast %add3A_715 : i32 to index
        %get3A_718 = tpu.vector_load %arg9[%get3A_716, %get3A_717] {strides = array<i32>} : memref<100x128xf32, #tpu.memory_space<vmem>>, vector<1x16xf32>,
        %get3A_719 = vector.shape_cast %get3A_718 : vector<1x16xf32> to vector<16xf32>
        %add3A_720 = arith.addf %mul3A_713, %get3A_719 : vector<16xf32>
        %swap3A_721 = arith.constant 0 : i32
        %swap3A_722 = arith.index_cast %swap3A_721 : i32 to index
        %swap3A_723 = arith.index_cast %scan3A_586 : i32 to index
        %swap3A_724 = arith.constant 48 : index
        %swap3A_725 = tpu.vector_load %arg8[%swap3A_722, %swap3A_723, %swap3A_724] {strides = array<i32>} : memref<2x128x64xf32, #tpu.memory_space<vmem>>, vector<1x1x16xf32>,
        %swap3A_726 = vector.shape_cast %swap3A_725 : vector<1x1x16xf32> to vector<16xf32>
        %swap3A_727 = vector.shape_cast %add3A_720 : vector<16xf32> to vector<1x1x16xf32>
        tpu.vector_store %arg8[%swap3A_722, %swap3A_723, %swap3A_724], %swap3A_727 {strides = array<i32>} : memref<2x128x64xf32, #tpu.memory_space<vmem>>, vector<1x1x16xf32>,
      }
      %scan3A_88 = arith.constant 128 : i32
      %mul3A_89 = arith.constant 128 : i32
      %mul3A_90 = arith.muli %add3A_57, %mul3A_89 : i32
      %add3A_91 = arith.addi %mul3A_2, %mul3A_90 : i32
      %dma_start3A_92 = arith.constant 0 : i32
      %dma_start3A_93 = arith.constant 0 : i32
      %dma_start3A_94 = arith.constant 0 : i32
      %dma_start3A_95 = arith.constant 0 : i32
      %dma_start3A_96 = tpu.memref_slice %arg8[%dma_start3A_92, %dma_start3A_94, %dma_start3A_95] : memref<2x128x64xf32, #tpu.memory_space<vmem>> -> memref<1x128x64xf32, #tpu.memory_space<vmem>>
      %dma_start3A_97 = tpu.memref_squeeze %dma_start3A_96 : memref<1x128x64xf32, #tpu.memory_space<vmem>> -> memref<128x64xf32, #tpu.memory_space<vmem>>
      %dma_start3A_98 = arith.constant 0 : i32
      %dma_start3A_99 = tpu.memref_slice %arg5[%add3A_91, %dma_start3A_98] : memref<819200x64xf32, #tpu.memory_space<hbm>> -> memref<128x64xf32, #tpu.memory_space<hbm>>
      %dma_start3A_100 = tpu.memref_slice %arg11[%dma_start3A_93] : memref<2x!tpu.dma_semaphore, #tpu.memory_space<semaphore_mem>> -> memref<1x!tpu.dma_semaphore, #tpu.memory_space<semaphore_mem>>
      %dma_start3A_101 = tpu.memref_squeeze %dma_start3A_100 : memref<1x!tpu.dma_semaphore, #tpu.memory_space<semaphore_mem>> -> memref<!tpu.dma_semaphore, #tpu.memory_space<semaphore_mem>>
      %dma_start3A_102 = arith.constant 0 : i32
      %dma_start3A_103 = tpu.memref_slice %arg5[%add3A_91, %dma_start3A_102] : memref<819200x64xf32, #tpu.memory_space<hbm>> -> memref<128x64xf32, #tpu.memory_space<hbm>>
      %dma_start3A_104 = arith.constant 0 : i32
      %dma_start3A_105 = arith.constant 0 : i32
      %dma_start3A_106 = tpu.memref_slice %arg8[%dma_start3A_92, %dma_start3A_104, %dma_start3A_105] : memref<2x128x64xf32, #tpu.memory_space<vmem>> -> memref<1x128x64xf32, #tpu.memory_space<vmem>>
      %dma_start3A_107 = tpu.memref_squeeze %dma_start3A_106 : memref<1x128x64xf32, #tpu.memory_space<vmem>> -> memref<128x64xf32, #tpu.memory_space<vmem>>
      tpu.enqueue_dma source(%dma_start3A_107 : memref<128x64xf32, #tpu.memory_space<vmem>>) target(%dma_start3A_103 : memref<128x64xf32, #tpu.memory_space<hbm>>) target_semaphore(%dma_start3A_101 : memref<!tpu.dma_semaphore, #tpu.memory_space<semaphore_mem>>)
      %mul3A_108 = arith.constant 2 : i32
      %mul3A_109 = arith.muli %mul3A_108, %scan3A_53 : i32
      %add3A_110 = arith.constant 1 : i32
      %add3A_111 = arith.addi %mul3A_109, %add3A_110 : i32
      %ge3A_112 = arith.constant 2 : i32
      %ge3A_113 = arith.cmpi sge, %add3A_111, %ge3A_112 : i32
      %convert_element_type3A_114 = arith.extui %ge3A_113 : i1 to i32
      %cond3A_115 = arith.constant 0 : i32
      %cond3A_116 = arith.cmpi ne, %convert_element_type3A_114, %cond3A_115 : i32
      scf.if %cond3A_116 {
        %dma_wait3A_167 = arith.constant 1 : i32
        %dma_wait3A_168 = arith.constant 1 : i32
        %dma_wait3A_169 = arith.constant 0 : i32
        %dma_wait3A_170 = arith.constant 0 : i32
        %dma_wait3A_171 = tpu.memref_slice %arg8[%dma_wait3A_167, %dma_wait3A_169, %dma_wait3A_170] : memref<2x128x64xf32, #tpu.memory_space<vmem>> -> memref<1x128x64xf32, #tpu.memory_space<vmem>>
        %dma_wait3A_172 = tpu.memref_squeeze %dma_wait3A_171 : memref<1x128x64xf32, #tpu.memory_space<vmem>> -> memref<128x64xf32, #tpu.memory_space<vmem>>
        %dma_wait3A_173 = arith.constant 0 : i32
        %dma_wait3A_174 = tpu.memref_slice %arg5[%mul3A_2, %dma_wait3A_173] : memref<819200x64xf32, #tpu.memory_space<hbm>> -> memref<128x64xf32, #tpu.memory_space<hbm>>
        %dma_wait3A_175 = tpu.memref_slice %arg11[%dma_wait3A_168] : memref<2x!tpu.dma_semaphore, #tpu.memory_space<semaphore_mem>> -> memref<1x!tpu.dma_semaphore, #tpu.memory_space<semaphore_mem>>
        %dma_wait3A_176 = tpu.memref_squeeze %dma_wait3A_175 : memref<1x!tpu.dma_semaphore, #tpu.memory_space<semaphore_mem>> -> memref<!tpu.dma_semaphore, #tpu.memory_space<semaphore_mem>>
        %dma_wait3A_177 = arith.constant 0 : i32
        %dma_wait3A_178 = tpu.memref_slice %arg5[%mul3A_2, %dma_wait3A_177] : memref<819200x64xf32, #tpu.memory_space<hbm>> -> memref<128x64xf32, #tpu.memory_space<hbm>>
        %dma_wait3A_179 = arith.constant 0 : i32
        %dma_wait3A_180 = arith.constant 0 : i32
        %dma_wait3A_181 = tpu.memref_slice %arg8[%dma_wait3A_167, %dma_wait3A_179, %dma_wait3A_180] : memref<2x128x64xf32, #tpu.memory_space<vmem>> -> memref<1x128x64xf32, #tpu.memory_space<vmem>>
        %dma_wait3A_182 = tpu.memref_squeeze %dma_wait3A_181 : memref<1x128x64xf32, #tpu.memory_space<vmem>> -> memref<128x64xf32, #tpu.memory_space<vmem>>
        tpu.wait_dma2 semaphore(%dma_wait3A_176 : memref<!tpu.dma_semaphore, #tpu.memory_space<semaphore_mem>>) src(%dma_wait3A_182 : memref<128x64xf32, #tpu.memory_space<vmem>>) dst(%dma_wait3A_178 : memref<128x64xf32, #tpu.memory_space<hbm>>)
      } else {
      }
      %add3A_117 = arith.constant 1 : i32
      %add3A_118 = arith.addi %add3A_111, %add3A_117 : i32
      %lt3A_119 = arith.constant 200 : i32
      %lt3A_120 = arith.cmpi slt, %add3A_118, %lt3A_119 : i32
      %convert_element_type3A_121 = arith.extui %lt3A_120 : i1 to i32
      %cond3A_122 = arith.constant 0 : i32
      %cond3A_123 = arith.cmpi ne, %convert_element_type3A_121, %cond3A_122 : i32
      scf.if %cond3A_123 {
        %add3A_167 = arith.constant 1 : i32
        %add3A_168 = arith.addi %add3A_111, %add3A_167 : i32
        %dma_start3A_169 = arith.constant 0 : i32
        %dma_start3A_170 = arith.constant 0 : i32
        %dma_start3A_171 = arith.constant 0 : i32
        %dma_start3A_172 = arith.constant 0 : i32
        %dma_start3A_173 = tpu.memref_slice %arg7[%dma_start3A_169, %dma_start3A_171, %dma_start3A_172] : memref<2x128x128xf32, #tpu.memory_space<vmem>> -> memref<1x128x128xf32, #tpu.memory_space<vmem>>
        %dma_start3A_174 = tpu.memref_squeeze %dma_start3A_173 : memref<1x128x128xf32, #tpu.memory_space<vmem>> -> memref<128x128xf32, #tpu.memory_space<vmem>>
        %dma_start3A_175 = arith.constant 0 : i32
        %dma_start3A_176 = tpu.memref_slice %arg6[%add3A_168, %dma_start3A_175] : memref<200x128xi32, #tpu.memory_space<vmem>> -> memref<1x128xi32, #tpu.memory_space<vmem>>
        %dma_start3A_177 = tpu.memref_squeeze %dma_start3A_176 : memref<1x128xi32, #tpu.memory_space<vmem>> -> memref<128xi32, #tpu.memory_space<vmem>>
        %dma_start3A_178 = arith.constant 0 : i32
        %dma_start3A_179 = arith.constant 0 : i32
        %dma_start3A_180 = tpu.memref_slice %arg3[%dma_start3A_178, %dma_start3A_179] : memref<1000000x128xf32, #tpu.memory_space<hbm>> -> memref<1000000x128xf32, #tpu.memory_space<hbm>>
        %dma_start3A_181 = tpu.memref_slice %arg10[%dma_start3A_170] : memref<2x!tpu.dma_semaphore, #tpu.memory_space<semaphore_mem>> -> memref<1x!tpu.dma_semaphore, #tpu.memory_space<semaphore_mem>>
        %dma_start3A_182 = tpu.memref_squeeze %dma_start3A_181 : memref<1x!tpu.dma_semaphore, #tpu.memory_space<semaphore_mem>> -> memref<!tpu.dma_semaphore, #tpu.memory_space<semaphore_mem>>
        tpu.enqueue_indirect_dma source(%dma_start3A_180 : memref<1000000x128xf32, #tpu.memory_space<hbm>>) target(%dma_start3A_174 : memref<128x128xf32, #tpu.memory_space<vmem>>) offsets(%dma_start3A_177 : memref<128xi32, #tpu.memory_space<vmem>>) semaphore(%dma_start3A_182 : memref<!tpu.dma_semaphore, #tpu.memory_space<semaphore_mem>>)
      } else {
      }
      %dma_wait3A_124 = arith.constant 1 : i32
      %dma_wait3A_125 = arith.constant 1 : i32
      %dma_wait3A_126 = arith.constant 0 : i32
      %dma_wait3A_127 = arith.constant 0 : i32
      %dma_wait3A_128 = tpu.memref_slice %arg7[%dma_wait3A_124, %dma_wait3A_126, %dma_wait3A_127] : memref<2x128x128xf32, #tpu.memory_space<vmem>> -> memref<1x128x128xf32, #tpu.memory_space<vmem>>
      %dma_wait3A_129 = tpu.memref_squeeze %dma_wait3A_128 : memref<1x128x128xf32, #tpu.memory_space<vmem>> -> memref<128x128xf32, #tpu.memory_space<vmem>>
      %dma_wait3A_130 = arith.constant 0 : i32
      %dma_wait3A_131 = tpu.memref_slice %arg6[%add3A_111, %dma_wait3A_130] : memref<200x128xi32, #tpu.memory_space<vmem>> -> memref<1x128xi32, #tpu.memory_space<vmem>>
      %dma_wait3A_132 = tpu.memref_squeeze %dma_wait3A_131 : memref<1x128xi32, #tpu.memory_space<vmem>> -> memref<128xi32, #tpu.memory_space<vmem>>
      %dma_wait3A_133 = arith.constant 0 : i32
      %dma_wait3A_134 = arith.constant 0 : i32
      %dma_wait3A_135 = tpu.memref_slice %arg3[%dma_wait3A_133, %dma_wait3A_134] : memref<1000000x128xf32, #tpu.memory_space<hbm>> -> memref<1000000x128xf32, #tpu.memory_space<hbm>>
      %dma_wait3A_136 = tpu.memref_slice %arg10[%dma_wait3A_125] : memref<2x!tpu.dma_semaphore, #tpu.memory_space<semaphore_mem>> -> memref<1x!tpu.dma_semaphore, #tpu.memory_space<semaphore_mem>>
      %dma_wait3A_137 = tpu.memref_squeeze %dma_wait3A_136 : memref<1x!tpu.dma_semaphore, #tpu.memory_space<semaphore_mem>> -> memref<!tpu.dma_semaphore, #tpu.memory_space<semaphore_mem>>
      tpu.wait_indirect_dma semaphore(%dma_wait3A_137 : memref<!tpu.dma_semaphore, #tpu.memory_space<semaphore_mem>>) src(%dma_wait3A_135 : memref<1000000x128xf32, #tpu.memory_space<hbm>>) dst(%dma_wait3A_129 : memref<128x128xf32, #tpu.memory_space<vmem>>)
      %mul3A_138 = arith.constant 128 : i32
      %mul3A_139 = arith.muli %add3A_111, %mul3A_138 : i32
      %rem3A_140 = arith.constant 200 : i32
      %rem3A_141 = arith.remsi %mul3A_139, %rem3A_140 : i32
      %scan3A_142 = arith.constant 0 : i32
      %scan3A_143 = arith.constant 0 : i32
      %scan3A_144 = arith.constant 128 : i32
      %scan3A_145 = arith.addi %scan3A_143, %scan3A_144 : i32
      %scan3A_146 = arith.constant 4 : i32
      scf.for %scan3A_167 = %scan3A_143 to %scan3A_145 step %scan3A_146  : i32 {
        %add3A_168 = arith.addi %rem3A_141, %scan3A_167 : i32
        %ge3A_169 = arith.constant 200 : i32
        %ge3A_170 = arith.cmpi sge, %add3A_168, %ge3A_169 : i32
        %jit3A = arith.constant 200 : i32
        %jit3A_171 = arith.constant 0 : i32
        %select_n3A = arith.select %ge3A_170, %jit3A, %jit3A_171 : i32
        %sub3A = arith.subi %add3A_168, %select_n3A : i32
        %jit3A_172 = arith.constant 2 : i32
        %div3A = arith.divsi %sub3A, %jit3A_172 : i32
        %sign3A = arith.constant 0 : i32
        %sign3A_173 = arith.cmpi sgt, %sub3A, %sign3A : i32
        %sign3A_174 = arith.extui %sign3A_173 : i1 to i32
        %sign3A_175 = arith.constant 0 : i32
        %sign3A_176 = arith.cmpi slt, %sub3A, %sign3A_175 : i32
        %sign3A_177 = arith.extui %sign3A_176 : i1 to i32
        %sign3A_178 = arith.subi %sign3A_174, %sign3A_177 : i32
        %sign3A_179 = arith.constant 0 : i32
        %sign3A_180 = arith.cmpi sgt, %jit3A_172, %sign3A_179 : i32
        %sign3A_181 = arith.extui %sign3A_180 : i1 to i32
        %sign3A_182 = arith.constant 0 : i32
        %sign3A_183 = arith.cmpi slt, %jit3A_172, %sign3A_182 : i32
        %sign3A_184 = arith.extui %sign3A_183 : i1 to i32
        %sign3A_185 = arith.subi %sign3A_181, %sign3A_184 : i32
        %ne3A = arith.cmpi ne, %sign3A_178, %sign3A_185 : i32
        %rem3A_186 = arith.remsi %sub3A, %jit3A_172 : i32
        %ne3A_187 = arith.constant 0 : i32
        %ne3A_188 = arith.cmpi ne, %rem3A_186, %ne3A_187 : i32
        %and3A = arith.andi %ne3A, %ne3A_188 : i1
        %sub3A_189 = arith.constant 1 : i32
        %sub3A_190 = arith.subi %div3A, %sub3A_189 : i32
        %select_n3A_191 = arith.select %and3A, %sub3A_190, %div3A : i32
        %jit3A_192 = arith.constant 2 : i32
        %eq3A = arith.constant 0 : i32
        %eq3A_193 = arith.cmpi eq, %jit3A_192, %eq3A : i32
        %jit3A_194 = arith.constant 1 : i32
        %select_n3A_195 = arith.select %eq3A_193, %jit3A_194, %jit3A_192 : i32
        %rem3A_196 = arith.remsi %sub3A, %select_n3A_195 : i32
        %ne3A_197 = arith.constant 0 : i32
        %ne3A_198 = arith.cmpi ne, %rem3A_196, %ne3A_197 : i32
        %lt3A_199 = arith.constant 0 : i32
        %lt3A_200 = arith.cmpi slt, %rem3A_196, %lt3A_199 : i32
        %lt3A_201 = arith.constant 0 : i32
        %lt3A_202 = arith.cmpi slt, %select_n3A_195, %lt3A_201 : i32
        %ne3A_203 = arith.xori %lt3A_200, %lt3A_202 : i1
        %and3A_204 = arith.andi %ne3A_203, %ne3A_198 : i1
        %add3A_205 = arith.addi %rem3A_196, %select_n3A_195 : i32
        %select_n3A_206 = arith.select %and3A_204, %add3A_205, %rem3A_196 : i32
        %mul3A_207 = arith.constant 64 : i32
        %mul3A_208 = arith.muli %select_n3A_206, %mul3A_207 : i32
        %get3A = arith.constant 1 : i32
        %get3A_209 = arith.index_cast %get3A : i32 to index
        %get3A_210 = arith.index_cast %scan3A_167 : i32 to index
        %get3A_211 = arith.constant 0 : index
        %get3A_212 = tpu.vector_load %arg7[%get3A_209, %get3A_210, %get3A_211] {strides = array<i32>} : memref<2x128x128xf32, #tpu.memory_space<vmem>>, vector<1x1x16xf32>,
        %get3A_213 = vector.shape_cast %get3A_212 : vector<1x1x16xf32> to vector<16xf32>
        %mul3A_214 = arith.constant 8.000000e+00 : f32
        %mul3A_215 = vector.broadcast %mul3A_214 : f32 to vector<16xf32>
        %mul3A_216 = arith.mulf %get3A_213, %mul3A_215 : vector<16xf32>
        %add3A_217 = arith.constant 0 : i32
        %add3A_218 = arith.addi %mul3A_208, %add3A_217 : i32
        %get3A_219 = arith.index_cast %select_n3A_191 : i32 to index
        %get3A_220 = arith.index_cast %add3A_218 : i32 to index
        %get3A_221 = tpu.vector_load %arg9[%get3A_219, %get3A_220] {strides = array<i32>} : memref<100x128xf32, #tpu.memory_space<vmem>>, vector<1x16xf32>,
        %get3A_222 = vector.shape_cast %get3A_221 : vector<1x16xf32> to vector<16xf32>
        %add3A_223 = arith.addf %mul3A_216, %get3A_222 : vector<16xf32>
        %swap3A = arith.constant 1 : i32
        %swap3A_224 = arith.index_cast %swap3A : i32 to index
        %swap3A_225 = arith.index_cast %scan3A_167 : i32 to index
        %swap3A_226 = arith.constant 0 : index
        %swap3A_227 = tpu.vector_load %arg8[%swap3A_224, %swap3A_225, %swap3A_226] {strides = array<i32>} : memref<2x128x64xf32, #tpu.memory_space<vmem>>, vector<1x1x16xf32>,
        %swap3A_228 = vector.shape_cast %swap3A_227 : vector<1x1x16xf32> to vector<16xf32>
        %swap3A_229 = vector.shape_cast %add3A_223 : vector<16xf32> to vector<1x1x16xf32>
        tpu.vector_store %arg8[%swap3A_224, %swap3A_225, %swap3A_226], %swap3A_229 {strides = array<i32>} : memref<2x128x64xf32, #tpu.memory_space<vmem>>, vector<1x1x16xf32>,
        %get3A_230 = arith.constant 1 : i32
        %get3A_231 = arith.index_cast %get3A_230 : i32 to index
        %get3A_232 = arith.index_cast %scan3A_167 : i32 to index
        %get3A_233 = arith.constant 16 : index
        %get3A_234 = tpu.vector_load %arg7[%get3A_231, %get3A_232, %get3A_233] {strides = array<i32>} : memref<2x128x128xf32, #tpu.memory_space<vmem>>, vector<1x1x16xf32>,
        %get3A_235 = vector.shape_cast %get3A_234 : vector<1x1x16xf32> to vector<16xf32>
        %mul3A_236 = arith.constant 8.000000e+00 : f32
        %mul3A_237 = vector.broadcast %mul3A_236 : f32 to vector<16xf32>
        %mul3A_238 = arith.mulf %get3A_235, %mul3A_237 : vector<16xf32>
        %add3A_239 = arith.constant 16 : i32
        %add3A_240 = arith.addi %mul3A_208, %add3A_239 : i32
        %get3A_241 = arith.index_cast %select_n3A_191 : i32 to index
        %get3A_242 = arith.index_cast %add3A_240 : i32 to index
        %get3A_243 = tpu.vector_load %arg9[%get3A_241, %get3A_242] {strides = array<i32>} : memref<100x128xf32, #tpu.memory_space<vmem>>, vector<1x16xf32>,
        %get3A_244 = vector.shape_cast %get3A_243 : vector<1x16xf32> to vector<16xf32>
        %add3A_245 = arith.addf %mul3A_238, %get3A_244 : vector<16xf32>
        %swap3A_246 = arith.constant 1 : i32
        %swap3A_247 = arith.index_cast %swap3A_246 : i32 to index
        %swap3A_248 = arith.index_cast %scan3A_167 : i32 to index
        %swap3A_249 = arith.constant 16 : index
        %swap3A_250 = tpu.vector_load %arg8[%swap3A_247, %swap3A_248, %swap3A_249] {strides = array<i32>} : memref<2x128x64xf32, #tpu.memory_space<vmem>>, vector<1x1x16xf32>,
        %swap3A_251 = vector.shape_cast %swap3A_250 : vector<1x1x16xf32> to vector<16xf32>
        %swap3A_252 = vector.shape_cast %add3A_245 : vector<16xf32> to vector<1x1x16xf32>
        tpu.vector_store %arg8[%swap3A_247, %swap3A_248, %swap3A_249], %swap3A_252 {strides = array<i32>} : memref<2x128x64xf32, #tpu.memory_space<vmem>>, vector<1x1x16xf32>,
        %get3A_253 = arith.constant 1 : i32
        %get3A_254 = arith.index_cast %get3A_253 : i32 to index
        %get3A_255 = arith.index_cast %scan3A_167 : i32 to index
        %get3A_256 = arith.constant 32 : index
        %get3A_257 = tpu.vector_load %arg7[%get3A_254, %get3A_255, %get3A_256] {strides = array<i32>} : memref<2x128x128xf32, #tpu.memory_space<vmem>>, vector<1x1x16xf32>,
        %get3A_258 = vector.shape_cast %get3A_257 : vector<1x1x16xf32> to vector<16xf32>
        %mul3A_259 = arith.constant 8.000000e+00 : f32
        %mul3A_260 = vector.broadcast %mul3A_259 : f32 to vector<16xf32>
        %mul3A_261 = arith.mulf %get3A_258, %mul3A_260 : vector<16xf32>
        %add3A_262 = arith.constant 32 : i32
        %add3A_263 = arith.addi %mul3A_208, %add3A_262 : i32
        %get3A_264 = arith.index_cast %select_n3A_191 : i32 to index
        %get3A_265 = arith.index_cast %add3A_263 : i32 to index
        %get3A_266 = tpu.vector_load %arg9[%get3A_264, %get3A_265] {strides = array<i32>} : memref<100x128xf32, #tpu.memory_space<vmem>>, vector<1x16xf32>,
        %get3A_267 = vector.shape_cast %get3A_266 : vector<1x16xf32> to vector<16xf32>
        %add3A_268 = arith.addf %mul3A_261, %get3A_267 : vector<16xf32>
        %swap3A_269 = arith.constant 1 : i32
        %swap3A_270 = arith.index_cast %swap3A_269 : i32 to index
        %swap3A_271 = arith.index_cast %scan3A_167 : i32 to index
        %swap3A_272 = arith.constant 32 : index
        %swap3A_273 = tpu.vector_load %arg8[%swap3A_270, %swap3A_271, %swap3A_272] {strides = array<i32>} : memref<2x128x64xf32, #tpu.memory_space<vmem>>, vector<1x1x16xf32>,
        %swap3A_274 = vector.shape_cast %swap3A_273 : vector<1x1x16xf32> to vector<16xf32>
        %swap3A_275 = vector.shape_cast %add3A_268 : vector<16xf32> to vector<1x1x16xf32>
        tpu.vector_store %arg8[%swap3A_270, %swap3A_271, %swap3A_272], %swap3A_275 {strides = array<i32>} : memref<2x128x64xf32, #tpu.memory_space<vmem>>, vector<1x1x16xf32>,
        %get3A_276 = arith.constant 1 : i32
        %get3A_277 = arith.index_cast %get3A_276 : i32 to index
        %get3A_278 = arith.index_cast %scan3A_167 : i32 to index
        %get3A_279 = arith.constant 48 : index
        %get3A_280 = tpu.vector_load %arg7[%get3A_277, %get3A_278, %get3A_279] {strides = array<i32>} : memref<2x128x128xf32, #tpu.memory_space<vmem>>, vector<1x1x16xf32>,
        %get3A_281 = vector.shape_cast %get3A_280 : vector<1x1x16xf32> to vector<16xf32>
        %mul3A_282 = arith.constant 8.000000e+00 : f32
        %mul3A_283 = vector.broadcast %mul3A_282 : f32 to vector<16xf32>
        %mul3A_284 = arith.mulf %get3A_281, %mul3A_283 : vector<16xf32>
        %add3A_285 = arith.constant 48 : i32
        %add3A_286 = arith.addi %mul3A_208, %add3A_285 : i32
        %get3A_287 = arith.index_cast %select_n3A_191 : i32 to index
        %get3A_288 = arith.index_cast %add3A_286 : i32 to index
        %get3A_289 = tpu.vector_load %arg9[%get3A_287, %get3A_288] {strides = array<i32>} : memref<100x128xf32, #tpu.memory_space<vmem>>, vector<1x16xf32>,
        %get3A_290 = vector.shape_cast %get3A_289 : vector<1x16xf32> to vector<16xf32>
        %add3A_291 = arith.addf %mul3A_284, %get3A_290 : vector<16xf32>
        %swap3A_292 = arith.constant 1 : i32
        %swap3A_293 = arith.index_cast %swap3A_292 : i32 to index
        %swap3A_294 = arith.index_cast %scan3A_167 : i32 to index
        %swap3A_295 = arith.constant 48 : index
        %swap3A_296 = tpu.vector_load %arg8[%swap3A_293, %swap3A_294, %swap3A_295] {strides = array<i32>} : memref<2x128x64xf32, #tpu.memory_space<vmem>>, vector<1x1x16xf32>,
        %swap3A_297 = vector.shape_cast %swap3A_296 : vector<1x1x16xf32> to vector<16xf32>
        %swap3A_298 = vector.shape_cast %add3A_291 : vector<16xf32> to vector<1x1x16xf32>
        tpu.vector_store %arg8[%swap3A_293, %swap3A_294, %swap3A_295], %swap3A_298 {strides = array<i32>} : memref<2x128x64xf32, #tpu.memory_space<vmem>>, vector<1x1x16xf32>,
        %scan3A_299 = arith.constant 1 : i32
        %scan3A_300 = arith.addi %scan3A_167, %scan3A_299 : i32
        %add3A_301 = arith.addi %rem3A_141, %scan3A_300 : i32
        %ge3A_302 = arith.constant 200 : i32
        %ge3A_303 = arith.cmpi sge, %add3A_301, %ge3A_302 : i32
        %jit3A_304 = arith.constant 200 : i32
        %jit3A_305 = arith.constant 0 : i32
        %select_n3A_306 = arith.select %ge3A_303, %jit3A_304, %jit3A_305 : i32
        %sub3A_307 = arith.subi %add3A_301, %select_n3A_306 : i32
        %jit3A_308 = arith.constant 2 : i32
        %div3A_309 = arith.divsi %sub3A_307, %jit3A_308 : i32
        %sign3A_310 = arith.constant 0 : i32
        %sign3A_311 = arith.cmpi sgt, %sub3A_307, %sign3A_310 : i32
        %sign3A_312 = arith.extui %sign3A_311 : i1 to i32
        %sign3A_313 = arith.constant 0 : i32
        %sign3A_314 = arith.cmpi slt, %sub3A_307, %sign3A_313 : i32
        %sign3A_315 = arith.extui %sign3A_314 : i1 to i32
        %sign3A_316 = arith.subi %sign3A_312, %sign3A_315 : i32
        %sign3A_317 = arith.constant 0 : i32
        %sign3A_318 = arith.cmpi sgt, %jit3A_308, %sign3A_317 : i32
        %sign3A_319 = arith.extui %sign3A_318 : i1 to i32
        %sign3A_320 = arith.constant 0 : i32
        %sign3A_321 = arith.cmpi slt, %jit3A_308, %sign3A_320 : i32
        %sign3A_322 = arith.extui %sign3A_321 : i1 to i32
        %sign3A_323 = arith.subi %sign3A_319, %sign3A_322 : i32
        %ne3A_324 = arith.cmpi ne, %sign3A_316, %sign3A_323 : i32
        %rem3A_325 = arith.remsi %sub3A_307, %jit3A_308 : i32
        %ne3A_326 = arith.constant 0 : i32
        %ne3A_327 = arith.cmpi ne, %rem3A_325, %ne3A_326 : i32
        %and3A_328 = arith.andi %ne3A_324, %ne3A_327 : i1
        %sub3A_329 = arith.constant 1 : i32
        %sub3A_330 = arith.subi %div3A_309, %sub3A_329 : i32
        %select_n3A_331 = arith.select %and3A_328, %sub3A_330, %div3A_309 : i32
        %jit3A_332 = arith.constant 2 : i32
        %eq3A_333 = arith.constant 0 : i32
        %eq3A_334 = arith.cmpi eq, %jit3A_332, %eq3A_333 : i32
        %jit3A_335 = arith.constant 1 : i32
        %select_n3A_336 = arith.select %eq3A_334, %jit3A_335, %jit3A_332 : i32
        %rem3A_337 = arith.remsi %sub3A_307, %select_n3A_336 : i32
        %ne3A_338 = arith.constant 0 : i32
        %ne3A_339 = arith.cmpi ne, %rem3A_337, %ne3A_338 : i32
        %lt3A_340 = arith.constant 0 : i32
        %lt3A_341 = arith.cmpi slt, %rem3A_337, %lt3A_340 : i32
        %lt3A_342 = arith.constant 0 : i32
        %lt3A_343 = arith.cmpi slt, %select_n3A_336, %lt3A_342 : i32
        %ne3A_344 = arith.xori %lt3A_341, %lt3A_343 : i1
        %and3A_345 = arith.andi %ne3A_344, %ne3A_339 : i1
        %add3A_346 = arith.addi %rem3A_337, %select_n3A_336 : i32
        %select_n3A_347 = arith.select %and3A_345, %add3A_346, %rem3A_337 : i32
        %mul3A_348 = arith.constant 64 : i32
        %mul3A_349 = arith.muli %select_n3A_347, %mul3A_348 : i32
        %get3A_350 = arith.constant 1 : i32
        %get3A_351 = arith.index_cast %get3A_350 : i32 to index
        %get3A_352 = arith.index_cast %scan3A_300 : i32 to index
        %get3A_353 = arith.constant 0 : index
        %get3A_354 = tpu.vector_load %arg7[%get3A_351, %get3A_352, %get3A_353] {strides = array<i32>} : memref<2x128x128xf32, #tpu.memory_space<vmem>>, vector<1x1x16xf32>,
        %get3A_355 = vector.shape_cast %get3A_354 : vector<1x1x16xf32> to vector<16xf32>
        %mul3A_356 = arith.constant 8.000000e+00 : f32
        %mul3A_357 = vector.broadcast %mul3A_356 : f32 to vector<16xf32>
        %mul3A_358 = arith.mulf %get3A_355, %mul3A_357 : vector<16xf32>
        %add3A_359 = arith.constant 0 : i32
        %add3A_360 = arith.addi %mul3A_349, %add3A_359 : i32
        %get3A_361 = arith.index_cast %select_n3A_331 : i32 to index
        %get3A_362 = arith.index_cast %add3A_360 : i32 to index
        %get3A_363 = tpu.vector_load %arg9[%get3A_361, %get3A_362] {strides = array<i32>} : memref<100x128xf32, #tpu.memory_space<vmem>>, vector<1x16xf32>,
        %get3A_364 = vector.shape_cast %get3A_363 : vector<1x16xf32> to vector<16xf32>
        %add3A_365 = arith.addf %mul3A_358, %get3A_364 : vector<16xf32>
        %swap3A_366 = arith.constant 1 : i32
        %swap3A_367 = arith.index_cast %swap3A_366 : i32 to index
        %swap3A_368 = arith.index_cast %scan3A_300 : i32 to index
        %swap3A_369 = arith.constant 0 : index
        %swap3A_370 = tpu.vector_load %arg8[%swap3A_367, %swap3A_368, %swap3A_369] {strides = array<i32>} : memref<2x128x64xf32, #tpu.memory_space<vmem>>, vector<1x1x16xf32>,
        %swap3A_371 = vector.shape_cast %swap3A_370 : vector<1x1x16xf32> to vector<16xf32>
        %swap3A_372 = vector.shape_cast %add3A_365 : vector<16xf32> to vector<1x1x16xf32>
        tpu.vector_store %arg8[%swap3A_367, %swap3A_368, %swap3A_369], %swap3A_372 {strides = array<i32>} : memref<2x128x64xf32, #tpu.memory_space<vmem>>, vector<1x1x16xf32>,
        %get3A_373 = arith.constant 1 : i32
        %get3A_374 = arith.index_cast %get3A_373 : i32 to index
        %get3A_375 = arith.index_cast %scan3A_300 : i32 to index
        %get3A_376 = arith.constant 16 : index
        %get3A_377 = tpu.vector_load %arg7[%get3A_374, %get3A_375, %get3A_376] {strides = array<i32>} : memref<2x128x128xf32, #tpu.memory_space<vmem>>, vector<1x1x16xf32>,
        %get3A_378 = vector.shape_cast %get3A_377 : vector<1x1x16xf32> to vector<16xf32>
        %mul3A_379 = arith.constant 8.000000e+00 : f32
        %mul3A_380 = vector.broadcast %mul3A_379 : f32 to vector<16xf32>
        %mul3A_381 = arith.mulf %get3A_378, %mul3A_380 : vector<16xf32>
        %add3A_382 = arith.constant 16 : i32
        %add3A_383 = arith.addi %mul3A_349, %add3A_382 : i32
        %get3A_384 = arith.index_cast %select_n3A_331 : i32 to index
        %get3A_385 = arith.index_cast %add3A_383 : i32 to index
        %get3A_386 = tpu.vector_load %arg9[%get3A_384, %get3A_385] {strides = array<i32>} : memref<100x128xf32, #tpu.memory_space<vmem>>, vector<1x16xf32>,
        %get3A_387 = vector.shape_cast %get3A_386 : vector<1x16xf32> to vector<16xf32>
        %add3A_388 = arith.addf %mul3A_381, %get3A_387 : vector<16xf32>
        %swap3A_389 = arith.constant 1 : i32
        %swap3A_390 = arith.index_cast %swap3A_389 : i32 to index
        %swap3A_391 = arith.index_cast %scan3A_300 : i32 to index
        %swap3A_392 = arith.constant 16 : index
        %swap3A_393 = tpu.vector_load %arg8[%swap3A_390, %swap3A_391, %swap3A_392] {strides = array<i32>} : memref<2x128x64xf32, #tpu.memory_space<vmem>>, vector<1x1x16xf32>,
        %swap3A_394 = vector.shape_cast %swap3A_393 : vector<1x1x16xf32> to vector<16xf32>
        %swap3A_395 = vector.shape_cast %add3A_388 : vector<16xf32> to vector<1x1x16xf32>
        tpu.vector_store %arg8[%swap3A_390, %swap3A_391, %swap3A_392], %swap3A_395 {strides = array<i32>} : memref<2x128x64xf32, #tpu.memory_space<vmem>>, vector<1x1x16xf32>,
        %get3A_396 = arith.constant 1 : i32
        %get3A_397 = arith.index_cast %get3A_396 : i32 to index
        %get3A_398 = arith.index_cast %scan3A_300 : i32 to index
        %get3A_399 = arith.constant 32 : index
        %get3A_400 = tpu.vector_load %arg7[%get3A_397, %get3A_398, %get3A_399] {strides = array<i32>} : memref<2x128x128xf32, #tpu.memory_space<vmem>>, vector<1x1x16xf32>,
        %get3A_401 = vector.shape_cast %get3A_400 : vector<1x1x16xf32> to vector<16xf32>
        %mul3A_402 = arith.constant 8.000000e+00 : f32
        %mul3A_403 = vector.broadcast %mul3A_402 : f32 to vector<16xf32>
        %mul3A_404 = arith.mulf %get3A_401, %mul3A_403 : vector<16xf32>
        %add3A_405 = arith.constant 32 : i32
        %add3A_406 = arith.addi %mul3A_349, %add3A_405 : i32
        %get3A_407 = arith.index_cast %select_n3A_331 : i32 to index
        %get3A_408 = arith.index_cast %add3A_406 : i32 to index
        %get3A_409 = tpu.vector_load %arg9[%get3A_407, %get3A_408] {strides = array<i32>} : memref<100x128xf32, #tpu.memory_space<vmem>>, vector<1x16xf32>,
        %get3A_410 = vector.shape_cast %get3A_409 : vector<1x16xf32> to vector<16xf32>
        %add3A_411 = arith.addf %mul3A_404, %get3A_410 : vector<16xf32>
        %swap3A_412 = arith.constant 1 : i32
        %swap3A_413 = arith.index_cast %swap3A_412 : i32 to index
        %swap3A_414 = arith.index_cast %scan3A_300 : i32 to index
        %swap3A_415 = arith.constant 32 : index
        %swap3A_416 = tpu.vector_load %arg8[%swap3A_413, %swap3A_414, %swap3A_415] {strides = array<i32>} : memref<2x128x64xf32, #tpu.memory_space<vmem>>, vector<1x1x16xf32>,
        %swap3A_417 = vector.shape_cast %swap3A_416 : vector<1x1x16xf32> to vector<16xf32>
        %swap3A_418 = vector.shape_cast %add3A_411 : vector<16xf32> to vector<1x1x16xf32>
        tpu.vector_store %arg8[%swap3A_413, %swap3A_414, %swap3A_415], %swap3A_418 {strides = array<i32>} : memref<2x128x64xf32, #tpu.memory_space<vmem>>, vector<1x1x16xf32>,
        %get3A_419 = arith.constant 1 : i32
        %get3A_420 = arith.index_cast %get3A_419 : i32 to index
        %get3A_421 = arith.index_cast %scan3A_300 : i32 to index
        %get3A_422 = arith.constant 48 : index
        %get3A_423 = tpu.vector_load %arg7[%get3A_420, %get3A_421, %get3A_422] {strides = array<i32>} : memref<2x128x128xf32, #tpu.memory_space<vmem>>, vector<1x1x16xf32>,
        %get3A_424 = vector.shape_cast %get3A_423 : vector<1x1x16xf32> to vector<16xf32>
        %mul3A_425 = arith.constant 8.000000e+00 : f32
        %mul3A_426 = vector.broadcast %mul3A_425 : f32 to vector<16xf32>
        %mul3A_427 = arith.mulf %get3A_424, %mul3A_426 : vector<16xf32>
        %add3A_428 = arith.constant 48 : i32
        %add3A_429 = arith.addi %mul3A_349, %add3A_428 : i32
        %get3A_430 = arith.index_cast %select_n3A_331 : i32 to index
        %get3A_431 = arith.index_cast %add3A_429 : i32 to index
        %get3A_432 = tpu.vector_load %arg9[%get3A_430, %get3A_431] {strides = array<i32>} : memref<100x128xf32, #tpu.memory_space<vmem>>, vector<1x16xf32>,
        %get3A_433 = vector.shape_cast %get3A_432 : vector<1x16xf32> to vector<16xf32>
        %add3A_434 = arith.addf %mul3A_427, %get3A_433 : vector<16xf32>
        %swap3A_435 = arith.constant 1 : i32
        %swap3A_436 = arith.index_cast %swap3A_435 : i32 to index
        %swap3A_437 = arith.index_cast %scan3A_300 : i32 to index
        %swap3A_438 = arith.constant 48 : index
        %swap3A_439 = tpu.vector_load %arg8[%swap3A_436, %swap3A_437, %swap3A_438] {strides = array<i32>} : memref<2x128x64xf32, #tpu.memory_space<vmem>>, vector<1x1x16xf32>,
        %swap3A_440 = vector.shape_cast %swap3A_439 : vector<1x1x16xf32> to vector<16xf32>
        %swap3A_441 = vector.shape_cast %add3A_434 : vector<16xf32> to vector<1x1x16xf32>
        tpu.vector_store %arg8[%swap3A_436, %swap3A_437, %swap3A_438], %swap3A_441 {strides = array<i32>} : memref<2x128x64xf32, #tpu.memory_space<vmem>>, vector<1x1x16xf32>,
        %scan3A_442 = arith.constant 2 : i32
        %scan3A_443 = arith.addi %scan3A_167, %scan3A_442 : i32
        %add3A_444 = arith.addi %rem3A_141, %scan3A_443 : i32
        %ge3A_445 = arith.constant 200 : i32
        %ge3A_446 = arith.cmpi sge, %add3A_444, %ge3A_445 : i32
        %jit3A_447 = arith.constant 200 : i32
        %jit3A_448 = arith.constant 0 : i32
        %select_n3A_449 = arith.select %ge3A_446, %jit3A_447, %jit3A_448 : i32
        %sub3A_450 = arith.subi %add3A_444, %select_n3A_449 : i32
        %jit3A_451 = arith.constant 2 : i32
        %div3A_452 = arith.divsi %sub3A_450, %jit3A_451 : i32
        %sign3A_453 = arith.constant 0 : i32
        %sign3A_454 = arith.cmpi sgt, %sub3A_450, %sign3A_453 : i32
        %sign3A_455 = arith.extui %sign3A_454 : i1 to i32
        %sign3A_456 = arith.constant 0 : i32
        %sign3A_457 = arith.cmpi slt, %sub3A_450, %sign3A_456 : i32
        %sign3A_458 = arith.extui %sign3A_457 : i1 to i32
        %sign3A_459 = arith.subi %sign3A_455, %sign3A_458 : i32
        %sign3A_460 = arith.constant 0 : i32
        %sign3A_461 = arith.cmpi sgt, %jit3A_451, %sign3A_460 : i32
        %sign3A_462 = arith.extui %sign3A_461 : i1 to i32
        %sign3A_463 = arith.constant 0 : i32
        %sign3A_464 = arith.cmpi slt, %jit3A_451, %sign3A_463 : i32
        %sign3A_465 = arith.extui %sign3A_464 : i1 to i32
        %sign3A_466 = arith.subi %sign3A_462, %sign3A_465 : i32
        %ne3A_467 = arith.cmpi ne, %sign3A_459, %sign3A_466 : i32
        %rem3A_468 = arith.remsi %sub3A_450, %jit3A_451 : i32
        %ne3A_469 = arith.constant 0 : i32
        %ne3A_470 = arith.cmpi ne, %rem3A_468, %ne3A_469 : i32
        %and3A_471 = arith.andi %ne3A_467, %ne3A_470 : i1
        %sub3A_472 = arith.constant 1 : i32
        %sub3A_473 = arith.subi %div3A_452, %sub3A_472 : i32
        %select_n3A_474 = arith.select %and3A_471, %sub3A_473, %div3A_452 : i32
        %jit3A_475 = arith.constant 2 : i32
        %eq3A_476 = arith.constant 0 : i32
        %eq3A_477 = arith.cmpi eq, %jit3A_475, %eq3A_476 : i32
        %jit3A_478 = arith.constant 1 : i32
        %select_n3A_479 = arith.select %eq3A_477, %jit3A_478, %jit3A_475 : i32
        %rem3A_480 = arith.remsi %sub3A_450, %select_n3A_479 : i32
        %ne3A_481 = arith.constant 0 : i32
        %ne3A_482 = arith.cmpi ne, %rem3A_480, %ne3A_481 : i32
        %lt3A_483 = arith.constant 0 : i32
        %lt3A_484 = arith.cmpi slt, %rem3A_480, %lt3A_483 : i32
        %lt3A_485 = arith.constant 0 : i32
        %lt3A_486 = arith.cmpi slt, %select_n3A_479, %lt3A_485 : i32
        %ne3A_487 = arith.xori %lt3A_484, %lt3A_486 : i1
        %and3A_488 = arith.andi %ne3A_487, %ne3A_482 : i1
        %add3A_489 = arith.addi %rem3A_480, %select_n3A_479 : i32
        %select_n3A_490 = arith.select %and3A_488, %add3A_489, %rem3A_480 : i32
        %mul3A_491 = arith.constant 64 : i32
        %mul3A_492 = arith.muli %select_n3A_490, %mul3A_491 : i32
        %get3A_493 = arith.constant 1 : i32
        %get3A_494 = arith.index_cast %get3A_493 : i32 to index
        %get3A_495 = arith.index_cast %scan3A_443 : i32 to index
        %get3A_496 = arith.constant 0 : index
        %get3A_497 = tpu.vector_load %arg7[%get3A_494, %get3A_495, %get3A_496] {strides = array<i32>} : memref<2x128x128xf32, #tpu.memory_space<vmem>>, vector<1x1x16xf32>,
        %get3A_498 = vector.shape_cast %get3A_497 : vector<1x1x16xf32> to vector<16xf32>
        %mul3A_499 = arith.constant 8.000000e+00 : f32
        %mul3A_500 = vector.broadcast %mul3A_499 : f32 to vector<16xf32>
        %mul3A_501 = arith.mulf %get3A_498, %mul3A_500 : vector<16xf32>
        %add3A_502 = arith.constant 0 : i32
        %add3A_503 = arith.addi %mul3A_492, %add3A_502 : i32
        %get3A_504 = arith.index_cast %select_n3A_474 : i32 to index
        %get3A_505 = arith.index_cast %add3A_503 : i32 to index
        %get3A_506 = tpu.vector_load %arg9[%get3A_504, %get3A_505] {strides = array<i32>} : memref<100x128xf32, #tpu.memory_space<vmem>>, vector<1x16xf32>,
        %get3A_507 = vector.shape_cast %get3A_506 : vector<1x16xf32> to vector<16xf32>
        %add3A_508 = arith.addf %mul3A_501, %get3A_507 : vector<16xf32>
        %swap3A_509 = arith.constant 1 : i32
        %swap3A_510 = arith.index_cast %swap3A_509 : i32 to index
        %swap3A_511 = arith.index_cast %scan3A_443 : i32 to index
        %swap3A_512 = arith.constant 0 : index
        %swap3A_513 = tpu.vector_load %arg8[%swap3A_510, %swap3A_511, %swap3A_512] {strides = array<i32>} : memref<2x128x64xf32, #tpu.memory_space<vmem>>, vector<1x1x16xf32>,
        %swap3A_514 = vector.shape_cast %swap3A_513 : vector<1x1x16xf32> to vector<16xf32>
        %swap3A_515 = vector.shape_cast %add3A_508 : vector<16xf32> to vector<1x1x16xf32>
        tpu.vector_store %arg8[%swap3A_510, %swap3A_511, %swap3A_512], %swap3A_515 {strides = array<i32>} : memref<2x128x64xf32, #tpu.memory_space<vmem>>, vector<1x1x16xf32>,
        %get3A_516 = arith.constant 1 : i32
        %get3A_517 = arith.index_cast %get3A_516 : i32 to index
        %get3A_518 = arith.index_cast %scan3A_443 : i32 to index
        %get3A_519 = arith.constant 16 : index
        %get3A_520 = tpu.vector_load %arg7[%get3A_517, %get3A_518, %get3A_519] {strides = array<i32>} : memref<2x128x128xf32, #tpu.memory_space<vmem>>, vector<1x1x16xf32>,
        %get3A_521 = vector.shape_cast %get3A_520 : vector<1x1x16xf32> to vector<16xf32>
        %mul3A_522 = arith.constant 8.000000e+00 : f32
        %mul3A_523 = vector.broadcast %mul3A_522 : f32 to vector<16xf32>
        %mul3A_524 = arith.mulf %get3A_521, %mul3A_523 : vector<16xf32>
        %add3A_525 = arith.constant 16 : i32
        %add3A_526 = arith.addi %mul3A_492, %add3A_525 : i32
        %get3A_527 = arith.index_cast %select_n3A_474 : i32 to index
        %get3A_528 = arith.index_cast %add3A_526 : i32 to index
        %get3A_529 = tpu.vector_load %arg9[%get3A_527, %get3A_528] {strides = array<i32>} : memref<100x128xf32, #tpu.memory_space<vmem>>, vector<1x16xf32>,
        %get3A_530 = vector.shape_cast %get3A_529 : vector<1x16xf32> to vector<16xf32>
        %add3A_531 = arith.addf %mul3A_524, %get3A_530 : vector<16xf32>
        %swap3A_532 = arith.constant 1 : i32
        %swap3A_533 = arith.index_cast %swap3A_532 : i32 to index
        %swap3A_534 = arith.index_cast %scan3A_443 : i32 to index
        %swap3A_535 = arith.constant 16 : index
        %swap3A_536 = tpu.vector_load %arg8[%swap3A_533, %swap3A_534, %swap3A_535] {strides = array<i32>} : memref<2x128x64xf32, #tpu.memory_space<vmem>>, vector<1x1x16xf32>,
        %swap3A_537 = vector.shape_cast %swap3A_536 : vector<1x1x16xf32> to vector<16xf32>
        %swap3A_538 = vector.shape_cast %add3A_531 : vector<16xf32> to vector<1x1x16xf32>
        tpu.vector_store %arg8[%swap3A_533, %swap3A_534, %swap3A_535], %swap3A_538 {strides = array<i32>} : memref<2x128x64xf32, #tpu.memory_space<vmem>>, vector<1x1x16xf32>,
        %get3A_539 = arith.constant 1 : i32
        %get3A_540 = arith.index_cast %get3A_539 : i32 to index
        %get3A_541 = arith.index_cast %scan3A_443 : i32 to index
        %get3A_542 = arith.constant 32 : index
        %get3A_543 = tpu.vector_load %arg7[%get3A_540, %get3A_541, %get3A_542] {strides = array<i32>} : memref<2x128x128xf32, #tpu.memory_space<vmem>>, vector<1x1x16xf32>,
        %get3A_544 = vector.shape_cast %get3A_543 : vector<1x1x16xf32> to vector<16xf32>
        %mul3A_545 = arith.constant 8.000000e+00 : f32
        %mul3A_546 = vector.broadcast %mul3A_545 : f32 to vector<16xf32>
        %mul3A_547 = arith.mulf %get3A_544, %mul3A_546 : vector<16xf32>
        %add3A_548 = arith.constant 32 : i32
        %add3A_549 = arith.addi %mul3A_492, %add3A_548 : i32
        %get3A_550 = arith.index_cast %select_n3A_474 : i32 to index
        %get3A_551 = arith.index_cast %add3A_549 : i32 to index
        %get3A_552 = tpu.vector_load %arg9[%get3A_550, %get3A_551] {strides = array<i32>} : memref<100x128xf32, #tpu.memory_space<vmem>>, vector<1x16xf32>,
        %get3A_553 = vector.shape_cast %get3A_552 : vector<1x16xf32> to vector<16xf32>
        %add3A_554 = arith.addf %mul3A_547, %get3A_553 : vector<16xf32>
        %swap3A_555 = arith.constant 1 : i32
        %swap3A_556 = arith.index_cast %swap3A_555 : i32 to index
        %swap3A_557 = arith.index_cast %scan3A_443 : i32 to index
        %swap3A_558 = arith.constant 32 : index
        %swap3A_559 = tpu.vector_load %arg8[%swap3A_556, %swap3A_557, %swap3A_558] {strides = array<i32>} : memref<2x128x64xf32, #tpu.memory_space<vmem>>, vector<1x1x16xf32>,
        %swap3A_560 = vector.shape_cast %swap3A_559 : vector<1x1x16xf32> to vector<16xf32>
        %swap3A_561 = vector.shape_cast %add3A_554 : vector<16xf32> to vector<1x1x16xf32>
        tpu.vector_store %arg8[%swap3A_556, %swap3A_557, %swap3A_558], %swap3A_561 {strides = array<i32>} : memref<2x128x64xf32, #tpu.memory_space<vmem>>, vector<1x1x16xf32>,
        %get3A_562 = arith.constant 1 : i32
        %get3A_563 = arith.index_cast %get3A_562 : i32 to index
        %get3A_564 = arith.index_cast %scan3A_443 : i32 to index
        %get3A_565 = arith.constant 48 : index
        %get3A_566 = tpu.vector_load %arg7[%get3A_563, %get3A_564, %get3A_565] {strides = array<i32>} : memref<2x128x128xf32, #tpu.memory_space<vmem>>, vector<1x1x16xf32>,
        %get3A_567 = vector.shape_cast %get3A_566 : vector<1x1x16xf32> to vector<16xf32>
        %mul3A_568 = arith.constant 8.000000e+00 : f32
        %mul3A_569 = vector.broadcast %mul3A_568 : f32 to vector<16xf32>
        %mul3A_570 = arith.mulf %get3A_567, %mul3A_569 : vector<16xf32>
        %add3A_571 = arith.constant 48 : i32
        %add3A_572 = arith.addi %mul3A_492, %add3A_571 : i32
        %get3A_573 = arith.index_cast %select_n3A_474 : i32 to index
        %get3A_574 = arith.index_cast %add3A_572 : i32 to index
        %get3A_575 = tpu.vector_load %arg9[%get3A_573, %get3A_574] {strides = array<i32>} : memref<100x128xf32, #tpu.memory_space<vmem>>, vector<1x16xf32>,
        %get3A_576 = vector.shape_cast %get3A_575 : vector<1x16xf32> to vector<16xf32>
        %add3A_577 = arith.addf %mul3A_570, %get3A_576 : vector<16xf32>
        %swap3A_578 = arith.constant 1 : i32
        %swap3A_579 = arith.index_cast %swap3A_578 : i32 to index
        %swap3A_580 = arith.index_cast %scan3A_443 : i32 to index
        %swap3A_581 = arith.constant 48 : index
        %swap3A_582 = tpu.vector_load %arg8[%swap3A_579, %swap3A_580, %swap3A_581] {strides = array<i32>} : memref<2x128x64xf32, #tpu.memory_space<vmem>>, vector<1x1x16xf32>,
        %swap3A_583 = vector.shape_cast %swap3A_582 : vector<1x1x16xf32> to vector<16xf32>
        %swap3A_584 = vector.shape_cast %add3A_577 : vector<16xf32> to vector<1x1x16xf32>
        tpu.vector_store %arg8[%swap3A_579, %swap3A_580, %swap3A_581], %swap3A_584 {strides = array<i32>} : memref<2x128x64xf32, #tpu.memory_space<vmem>>, vector<1x1x16xf32>,
        %scan3A_585 = arith.constant 3 : i32
        %scan3A_586 = arith.addi %scan3A_167, %scan3A_585 : i32
        %add3A_587 = arith.addi %rem3A_141, %scan3A_586 : i32
        %ge3A_588 = arith.constant 200 : i32
        %ge3A_589 = arith.cmpi sge, %add3A_587, %ge3A_588 : i32
        %jit3A_590 = arith.constant 200 : i32
        %jit3A_591 = arith.constant 0 : i32
        %select_n3A_592 = arith.select %ge3A_589, %jit3A_590, %jit3A_591 : i32
        %sub3A_593 = arith.subi %add3A_587, %select_n3A_592 : i32
        %jit3A_594 = arith.constant 2 : i32
        %div3A_595 = arith.divsi %sub3A_593, %jit3A_594 : i32
        %sign3A_596 = arith.constant 0 : i32
        %sign3A_597 = arith.cmpi sgt, %sub3A_593, %sign3A_596 : i32
        %sign3A_598 = arith.extui %sign3A_597 : i1 to i32
        %sign3A_599 = arith.constant 0 : i32
        %sign3A_600 = arith.cmpi slt, %sub3A_593, %sign3A_599 : i32
        %sign3A_601 = arith.extui %sign3A_600 : i1 to i32
        %sign3A_602 = arith.subi %sign3A_598, %sign3A_601 : i32
        %sign3A_603 = arith.constant 0 : i32
        %sign3A_604 = arith.cmpi sgt, %jit3A_594, %sign3A_603 : i32
        %sign3A_605 = arith.extui %sign3A_604 : i1 to i32
        %sign3A_606 = arith.constant 0 : i32
        %sign3A_607 = arith.cmpi slt, %jit3A_594, %sign3A_606 : i32
        %sign3A_608 = arith.extui %sign3A_607 : i1 to i32
        %sign3A_609 = arith.subi %sign3A_605, %sign3A_608 : i32
        %ne3A_610 = arith.cmpi ne, %sign3A_602, %sign3A_609 : i32
        %rem3A_611 = arith.remsi %sub3A_593, %jit3A_594 : i32
        %ne3A_612 = arith.constant 0 : i32
        %ne3A_613 = arith.cmpi ne, %rem3A_611, %ne3A_612 : i32
        %and3A_614 = arith.andi %ne3A_610, %ne3A_613 : i1
        %sub3A_615 = arith.constant 1 : i32
        %sub3A_616 = arith.subi %div3A_595, %sub3A_615 : i32
        %select_n3A_617 = arith.select %and3A_614, %sub3A_616, %div3A_595 : i32
        %jit3A_618 = arith.constant 2 : i32
        %eq3A_619 = arith.constant 0 : i32
        %eq3A_620 = arith.cmpi eq, %jit3A_618, %eq3A_619 : i32
        %jit3A_621 = arith.constant 1 : i32
        %select_n3A_622 = arith.select %eq3A_620, %jit3A_621, %jit3A_618 : i32
        %rem3A_623 = arith.remsi %sub3A_593, %select_n3A_622 : i32
        %ne3A_624 = arith.constant 0 : i32
        %ne3A_625 = arith.cmpi ne, %rem3A_623, %ne3A_624 : i32
        %lt3A_626 = arith.constant 0 : i32
        %lt3A_627 = arith.cmpi slt, %rem3A_623, %lt3A_626 : i32
        %lt3A_628 = arith.constant 0 : i32
        %lt3A_629 = arith.cmpi slt, %select_n3A_622, %lt3A_628 : i32
        %ne3A_630 = arith.xori %lt3A_627, %lt3A_629 : i1
        %and3A_631 = arith.andi %ne3A_630, %ne3A_625 : i1
        %add3A_632 = arith.addi %rem3A_623, %select_n3A_622 : i32
        %select_n3A_633 = arith.select %and3A_631, %add3A_632, %rem3A_623 : i32
        %mul3A_634 = arith.constant 64 : i32
        %mul3A_635 = arith.muli %select_n3A_633, %mul3A_634 : i32
        %get3A_636 = arith.constant 1 : i32
        %get3A_637 = arith.index_cast %get3A_636 : i32 to index
        %get3A_638 = arith.index_cast %scan3A_586 : i32 to index
        %get3A_639 = arith.constant 0 : index
        %get3A_640 = tpu.vector_load %arg7[%get3A_637, %get3A_638, %get3A_639] {strides = array<i32>} : memref<2x128x128xf32, #tpu.memory_space<vmem>>, vector<1x1x16xf32>,
        %get3A_641 = vector.shape_cast %get3A_640 : vector<1x1x16xf32> to vector<16xf32>
        %mul3A_642 = arith.constant 8.000000e+00 : f32
        %mul3A_643 = vector.broadcast %mul3A_642 : f32 to vector<16xf32>
        %mul3A_644 = arith.mulf %get3A_641, %mul3A_643 : vector<16xf32>
        %add3A_645 = arith.constant 0 : i32
        %add3A_646 = arith.addi %mul3A_635, %add3A_645 : i32
        %get3A_647 = arith.index_cast %select_n3A_617 : i32 to index
        %get3A_648 = arith.index_cast %add3A_646 : i32 to index
        %get3A_649 = tpu.vector_load %arg9[%get3A_647, %get3A_648] {strides = array<i32>} : memref<100x128xf32, #tpu.memory_space<vmem>>, vector<1x16xf32>,
        %get3A_650 = vector.shape_cast %get3A_649 : vector<1x16xf32> to vector<16xf32>
        %add3A_651 = arith.addf %mul3A_644, %get3A_650 : vector<16xf32>
        %swap3A_652 = arith.constant 1 : i32
        %swap3A_653 = arith.index_cast %swap3A_652 : i32 to index
        %swap3A_654 = arith.index_cast %scan3A_586 : i32 to index
        %swap3A_655 = arith.constant 0 : index
        %swap3A_656 = tpu.vector_load %arg8[%swap3A_653, %swap3A_654, %swap3A_655] {strides = array<i32>} : memref<2x128x64xf32, #tpu.memory_space<vmem>>, vector<1x1x16xf32>,
        %swap3A_657 = vector.shape_cast %swap3A_656 : vector<1x1x16xf32> to vector<16xf32>
        %swap3A_658 = vector.shape_cast %add3A_651 : vector<16xf32> to vector<1x1x16xf32>
        tpu.vector_store %arg8[%swap3A_653, %swap3A_654, %swap3A_655], %swap3A_658 {strides = array<i32>} : memref<2x128x64xf32, #tpu.memory_space<vmem>>, vector<1x1x16xf32>,
        %get3A_659 = arith.constant 1 : i32
        %get3A_660 = arith.index_cast %get3A_659 : i32 to index
        %get3A_661 = arith.index_cast %scan3A_586 : i32 to index
        %get3A_662 = arith.constant 16 : index
        %get3A_663 = tpu.vector_load %arg7[%get3A_660, %get3A_661, %get3A_662] {strides = array<i32>} : memref<2x128x128xf32, #tpu.memory_space<vmem>>, vector<1x1x16xf32>,
        %get3A_664 = vector.shape_cast %get3A_663 : vector<1x1x16xf32> to vector<16xf32>
        %mul3A_665 = arith.constant 8.000000e+00 : f32
        %mul3A_666 = vector.broadcast %mul3A_665 : f32 to vector<16xf32>
        %mul3A_667 = arith.mulf %get3A_664, %mul3A_666 : vector<16xf32>
        %add3A_668 = arith.constant 16 : i32
        %add3A_669 = arith.addi %mul3A_635, %add3A_668 : i32
        %get3A_670 = arith.index_cast %select_n3A_617 : i32 to index
        %get3A_671 = arith.index_cast %add3A_669 : i32 to index
        %get3A_672 = tpu.vector_load %arg9[%get3A_670, %get3A_671] {strides = array<i32>} : memref<100x128xf32, #tpu.memory_space<vmem>>, vector<1x16xf32>,
        %get3A_673 = vector.shape_cast %get3A_672 : vector<1x16xf32> to vector<16xf32>
        %add3A_674 = arith.addf %mul3A_667, %get3A_673 : vector<16xf32>
        %swap3A_675 = arith.constant 1 : i32
        %swap3A_676 = arith.index_cast %swap3A_675 : i32 to index
        %swap3A_677 = arith.index_cast %scan3A_586 : i32 to index
        %swap3A_678 = arith.constant 16 : index
        %swap3A_679 = tpu.vector_load %arg8[%swap3A_676, %swap3A_677, %swap3A_678] {strides = array<i32>} : memref<2x128x64xf32, #tpu.memory_space<vmem>>, vector<1x1x16xf32>,
        %swap3A_680 = vector.shape_cast %swap3A_679 : vector<1x1x16xf32> to vector<16xf32>
        %swap3A_681 = vector.shape_cast %add3A_674 : vector<16xf32> to vector<1x1x16xf32>
        tpu.vector_store %arg8[%swap3A_676, %swap3A_677, %swap3A_678], %swap3A_681 {strides = array<i32>} : memref<2x128x64xf32, #tpu.memory_space<vmem>>, vector<1x1x16xf32>,
        %get3A_682 = arith.constant 1 : i32
        %get3A_683 = arith.index_cast %get3A_682 : i32 to index
        %get3A_684 = arith.index_cast %scan3A_586 : i32 to index
        %get3A_685 = arith.constant 32 : index
        %get3A_686 = tpu.vector_load %arg7[%get3A_683, %get3A_684, %get3A_685] {strides = array<i32>} : memref<2x128x128xf32, #tpu.memory_space<vmem>>, vector<1x1x16xf32>,
        %get3A_687 = vector.shape_cast %get3A_686 : vector<1x1x16xf32> to vector<16xf32>
        %mul3A_688 = arith.constant 8.000000e+00 : f32
        %mul3A_689 = vector.broadcast %mul3A_688 : f32 to vector<16xf32>
        %mul3A_690 = arith.mulf %get3A_687, %mul3A_689 : vector<16xf32>
        %add3A_691 = arith.constant 32 : i32
        %add3A_692 = arith.addi %mul3A_635, %add3A_691 : i32
        %get3A_693 = arith.index_cast %select_n3A_617 : i32 to index
        %get3A_694 = arith.index_cast %add3A_692 : i32 to index
        %get3A_695 = tpu.vector_load %arg9[%get3A_693, %get3A_694] {strides = array<i32>} : memref<100x128xf32, #tpu.memory_space<vmem>>, vector<1x16xf32>,
        %get3A_696 = vector.shape_cast %get3A_695 : vector<1x16xf32> to vector<16xf32>
        %add3A_697 = arith.addf %mul3A_690, %get3A_696 : vector<16xf32>
        %swap3A_698 = arith.constant 1 : i32
        %swap3A_699 = arith.index_cast %swap3A_698 : i32 to index
        %swap3A_700 = arith.index_cast %scan3A_586 : i32 to index
        %swap3A_701 = arith.constant 32 : index
        %swap3A_702 = tpu.vector_load %arg8[%swap3A_699, %swap3A_700, %swap3A_701] {strides = array<i32>} : memref<2x128x64xf32, #tpu.memory_space<vmem>>, vector<1x1x16xf32>,
        %swap3A_703 = vector.shape_cast %swap3A_702 : vector<1x1x16xf32> to vector<16xf32>
        %swap3A_704 = vector.shape_cast %add3A_697 : vector<16xf32> to vector<1x1x16xf32>
        tpu.vector_store %arg8[%swap3A_699, %swap3A_700, %swap3A_701], %swap3A_704 {strides = array<i32>} : memref<2x128x64xf32, #tpu.memory_space<vmem>>, vector<1x1x16xf32>,
        %get3A_705 = arith.constant 1 : i32
        %get3A_706 = arith.index_cast %get3A_705 : i32 to index
        %get3A_707 = arith.index_cast %scan3A_586 : i32 to index
        %get3A_708 = arith.constant 48 : index
        %get3A_709 = tpu.vector_load %arg7[%get3A_706, %get3A_707, %get3A_708] {strides = array<i32>} : memref<2x128x128xf32, #tpu.memory_space<vmem>>, vector<1x1x16xf32>,
        %get3A_710 = vector.shape_cast %get3A_709 : vector<1x1x16xf32> to vector<16xf32>
        %mul3A_711 = arith.constant 8.000000e+00 : f32
        %mul3A_712 = vector.broadcast %mul3A_711 : f32 to vector<16xf32>
        %mul3A_713 = arith.mulf %get3A_710, %mul3A_712 : vector<16xf32>
        %add3A_714 = arith.constant 48 : i32
        %add3A_715 = arith.addi %mul3A_635, %add3A_714 : i32
        %get3A_716 = arith.index_cast %select_n3A_617 : i32 to index
        %get3A_717 = arith.index_cast %add3A_715 : i32 to index
        %get3A_718 = tpu.vector_load %arg9[%get3A_716, %get3A_717] {strides = array<i32>} : memref<100x128xf32, #tpu.memory_space<vmem>>, vector<1x16xf32>,
        %get3A_719 = vector.shape_cast %get3A_718 : vector<1x16xf32> to vector<16xf32>
        %add3A_720 = arith.addf %mul3A_713, %get3A_719 : vector<16xf32>
        %swap3A_721 = arith.constant 1 : i32
        %swap3A_722 = arith.index_cast %swap3A_721 : i32 to index
        %swap3A_723 = arith.index_cast %scan3A_586 : i32 to index
        %swap3A_724 = arith.constant 48 : index
        %swap3A_725 = tpu.vector_load %arg8[%swap3A_722, %swap3A_723, %swap3A_724] {strides = array<i32>} : memref<2x128x64xf32, #tpu.memory_space<vmem>>, vector<1x1x16xf32>,
        %swap3A_726 = vector.shape_cast %swap3A_725 : vector<1x1x16xf32> to vector<16xf32>
        %swap3A_727 = vector.shape_cast %add3A_720 : vector<16xf32> to vector<1x1x16xf32>
        tpu.vector_store %arg8[%swap3A_722, %swap3A_723, %swap3A_724], %swap3A_727 {strides = array<i32>} : memref<2x128x64xf32, #tpu.memory_space<vmem>>, vector<1x1x16xf32>,
      }
      %scan3A_147 = arith.constant 128 : i32
      %mul3A_148 = arith.constant 128 : i32
      %mul3A_149 = arith.muli %add3A_111, %mul3A_148 : i32
      %add3A_150 = arith.addi %mul3A_2, %mul3A_149 : i32
      %dma_start3A_151 = arith.constant 1 : i32
      %dma_start3A_152 = arith.constant 1 : i32
      %dma_start3A_153 = arith.constant 0 : i32
      %dma_start3A_154 = arith.constant 0 : i32
      %dma_start3A_155 = tpu.memref_slice %arg8[%dma_start3A_151, %dma_start3A_153, %dma_start3A_154] : memref<2x128x64xf32, #tpu.memory_space<vmem>> -> memref<1x128x64xf32, #tpu.memory_space<vmem>>
      %dma_start3A_156 = tpu.memref_squeeze %dma_start3A_155 : memref<1x128x64xf32, #tpu.memory_space<vmem>> -> memref<128x64xf32, #tpu.memory_space<vmem>>
      %dma_start3A_157 = arith.constant 0 : i32
      %dma_start3A_158 = tpu.memref_slice %arg5[%add3A_150, %dma_start3A_157] : memref<819200x64xf32, #tpu.memory_space<hbm>> -> memref<128x64xf32, #tpu.memory_space<hbm>>
      %dma_start3A_159 = tpu.memref_slice %arg11[%dma_start3A_152] : memref<2x!tpu.dma_semaphore, #tpu.memory_space<semaphore_mem>> -> memref<1x!tpu.dma_semaphore, #tpu.memory_space<semaphore_mem>>
      %dma_start3A_160 = tpu.memref_squeeze %dma_start3A_159 : memref<1x!tpu.dma_semaphore, #tpu.memory_space<semaphore_mem>> -> memref<!tpu.dma_semaphore, #tpu.memory_space<semaphore_mem>>
      %dma_start3A_161 = arith.constant 0 : i32
      %dma_start3A_162 = tpu.memref_slice %arg5[%add3A_150, %dma_start3A_161] : memref<819200x64xf32, #tpu.memory_space<hbm>> -> memref<128x64xf32, #tpu.memory_space<hbm>>
      %dma_start3A_163 = arith.constant 0 : i32
      %dma_start3A_164 = arith.constant 0 : i32
      %dma_start3A_165 = tpu.memref_slice %arg8[%dma_start3A_151, %dma_start3A_163, %dma_start3A_164] : memref<2x128x64xf32, #tpu.memory_space<vmem>> -> memref<1x128x64xf32, #tpu.memory_space<vmem>>
      %dma_start3A_166 = tpu.memref_squeeze %dma_start3A_165 : memref<1x128x64xf32, #tpu.memory_space<vmem>> -> memref<128x64xf32, #tpu.memory_space<vmem>>
      tpu.enqueue_dma source(%dma_start3A_166 : memref<128x64xf32, #tpu.memory_space<vmem>>) target(%dma_start3A_162 : memref<128x64xf32, #tpu.memory_space<hbm>>) target_semaphore(%dma_start3A_160 : memref<!tpu.dma_semaphore, #tpu.memory_space<semaphore_mem>>)
    }
    %scan3A_21 = arith.constant 100 : i32
    %dma_wait3A = arith.constant 0 : i32
    %dma_wait3A_22 = arith.constant 0 : i32
    %dma_wait3A_23 = arith.constant 0 : i32
    %dma_wait3A_24 = arith.constant 0 : i32
    %dma_wait3A_25 = tpu.memref_slice %arg8[%dma_wait3A, %dma_wait3A_23, %dma_wait3A_24] : memref<2x128x64xf32, #tpu.memory_space<vmem>> -> memref<1x128x64xf32, #tpu.memory_space<vmem>>
    %dma_wait3A_26 = tpu.memref_squeeze %dma_wait3A_25 : memref<1x128x64xf32, #tpu.memory_space<vmem>> -> memref<128x64xf32, #tpu.memory_space<vmem>>
    %dma_wait3A_27 = arith.constant 0 : i32
    %dma_wait3A_28 = tpu.memref_slice %arg5[%mul3A_2, %dma_wait3A_27] : memref<819200x64xf32, #tpu.memory_space<hbm>> -> memref<128x64xf32, #tpu.memory_space<hbm>>
    %dma_wait3A_29 = tpu.memref_slice %arg11[%dma_wait3A_22] : memref<2x!tpu.dma_semaphore, #tpu.memory_space<semaphore_mem>> -> memref<1x!tpu.dma_semaphore, #tpu.memory_space<semaphore_mem>>
    %dma_wait3A_30 = tpu.memref_squeeze %dma_wait3A_29 : memref<1x!tpu.dma_semaphore, #tpu.memory_space<semaphore_mem>> -> memref<!tpu.dma_semaphore, #tpu.memory_space<semaphore_mem>>
    %dma_wait3A_31 = arith.constant 0 : i32
    %dma_wait3A_32 = tpu.memref_slice %arg5[%mul3A_2, %dma_wait3A_31] : memref<819200x64xf32, #tpu.memory_space<hbm>> -> memref<128x64xf32, #tpu.memory_space<hbm>>
    %dma_wait3A_33 = arith.constant 0 : i32
    %dma_wait3A_34 = arith.constant 0 : i32
    %dma_wait3A_35 = tpu.memref_slice %arg8[%dma_wait3A, %dma_wait3A_33, %dma_wait3A_34] : memref<2x128x64xf32, #tpu.memory_space<vmem>> -> memref<1x128x64xf32, #tpu.memory_space<vmem>>
    %dma_wait3A_36 = tpu.memref_squeeze %dma_wait3A_35 : memref<1x128x64xf32, #tpu.memory_space<vmem>> -> memref<128x64xf32, #tpu.memory_space<vmem>>
    tpu.wait_dma2 semaphore(%dma_wait3A_30 : memref<!tpu.dma_semaphore, #tpu.memory_space<semaphore_mem>>) src(%dma_wait3A_36 : memref<128x64xf32, #tpu.memory_space<vmem>>) dst(%dma_wait3A_32 : memref<128x64xf32, #tpu.memory_space<hbm>>)
    %dma_wait3A_37 = arith.constant 1 : i32
    %dma_wait3A_38 = arith.constant 1 : i32
    %dma_wait3A_39 = arith.constant 0 : i32
    %dma_wait3A_40 = arith.constant 0 : i32
    %dma_wait3A_41 = tpu.memref_slice %arg8[%dma_wait3A_37, %dma_wait3A_39, %dma_wait3A_40] : memref<2x128x64xf32, #tpu.memory_space<vmem>> -> memref<1x128x64xf32, #tpu.memory_space<vmem>>
    %dma_wait3A_42 = tpu.memref_squeeze %dma_wait3A_41 : memref<1x128x64xf32, #tpu.memory_space<vmem>> -> memref<128x64xf32, #tpu.memory_space<vmem>>
    %dma_wait3A_43 = arith.constant 0 : i32
    %dma_wait3A_44 = tpu.memref_slice %arg5[%mul3A_2, %dma_wait3A_43] : memref<819200x64xf32, #tpu.memory_space<hbm>> -> memref<128x64xf32, #tpu.memory_space<hbm>>
    %dma_wait3A_45 = tpu.memref_slice %arg11[%dma_wait3A_38] : memref<2x!tpu.dma_semaphore, #tpu.memory_space<semaphore_mem>> -> memref<1x!tpu.dma_semaphore, #tpu.memory_space<semaphore_mem>>
    %dma_wait3A_46 = tpu.memref_squeeze %dma_wait3A_45 : memref<1x!tpu.dma_semaphore, #tpu.memory_space<semaphore_mem>> -> memref<!tpu.dma_semaphore, #tpu.memory_space<semaphore_mem>>
    %dma_wait3A_47 = arith.constant 0 : i32
    %dma_wait3A_48 = tpu.memref_slice %arg5[%mul3A_2, %dma_wait3A_47] : memref<819200x64xf32, #tpu.memory_space<hbm>> -> memref<128x64xf32, #tpu.memory_space<hbm>>
    %dma_wait3A_49 = arith.constant 0 : i32
    %dma_wait3A_50 = arith.constant 0 : i32
    %dma_wait3A_51 = tpu.memref_slice %arg8[%dma_wait3A_37, %dma_wait3A_49, %dma_wait3A_50] : memref<2x128x64xf32, #tpu.memory_space<vmem>> -> memref<1x128x64xf32, #tpu.memory_space<vmem>>
    %dma_wait3A_52 = tpu.memref_squeeze %dma_wait3A_51 : memref<1x128x64xf32, #tpu.memory_space<vmem>> -> memref<128x64xf32, #tpu.memory_space<vmem>>
    tpu.wait_dma2 semaphore(%dma_wait3A_46 : memref<!tpu.dma_semaphore, #tpu.memory_space<semaphore_mem>>) src(%dma_wait3A_52 : memref<128x64xf32, #tpu.memory_space<vmem>>) dst(%dma_wait3A_48 : memref<128x64xf32, #tpu.memory_space<hbm>>)
    return
  }
}

</mosaic_0001>

<sc_bundles>
// kernel: kernel.3.cloned.1.call-start
scs
__scs_entry_jumppad:
0x0: {  	(pc) =	sbr.rel $0x88, $3  }
0x1: {  	(tag) =	ssettag $0x0;
	lr =	simm.s32 $0x1  }
0x2: {  	[smem:$0x3F9E] =	sst lr;
	_ =	strace $0xD0000000  }
0x3: {  	_ = 	snop  }
0x4: {  	_ = 	snop  }
0x5: {  	_ = 	snop  }
0x6: {  	_ = 	snop  }
0x7: {  	_ = 	snop  }
__scs_overlays_trampoline_lowered:
0x8: {  	[smem:$0x3FAD] =	sst s0  }
0x9: {  	[smem:$0x3FAE] =	sst s1  }
0xa: {  	[smem:$0x3FAF] =	sst s2  }
0xb: {  	[smem:$0x3FB0] =	sst s3  }
0xc: {  	[smem:$0x3FB1] =	sst s4  }
0xd: {  	[smem:$0x3FB2] =	sst s5  }
0xe: {  	[smem:$0x3FB3] =	sst s6  }
0xf: {  	[smem:$0x3FB4] =	sst s7  }
0x10: {  	[smem:$0x3FB5] =	sst s8  }
0x11: {  	[smem:$0x3FB6] =	sst s9;
	s0 =	simm.s32 @!p0 $0x0  }
0x12: {  	s1 =	sld [smem:$0x3F9C];
	s0 =	simm.s32 @p0 $0x1  }
0x13: {  	[smem:$0x3FB7] =	sst s0;
	s0 =	simm.s32 @!p1 $0x0  }
0x14: {  	s2 =	sld [smem:$0x3F9B];
	s0 =	simm.s32 @p1 $0x1  }
0x15: {  	[smem:$0x3FB8] =	sst s0;
	s0 =	simm.s32 @!p2 $0x0  }
0x16: {  	s3 =	sld [smem:$0x3FDB];
	s0 =	simm.s32 @p2 $0x1  }
0x17: {  	s4 =	simm.s32 $0x1BF5;
	[smem:$0x3FBA] =	sst s0  }
0x18: {  	s0 =	sld [smem:$0x3F9D];
	_ =	swait.ge [sflag:s4], $0x0  }
0x19: {  	s7 =	sld [smem:$0x3F9E]  }
0x1a: {  	s8 =	sadd.s32 $0xFFFFE003, lr  }
0x1b: {  	s9 =	sadd.s32 $0xFFFFFEF7, lr;
	s5 =	simm.s32 $0xFFFFFFFF;
	p2 =	slt.u32 s8, $0xFFFFF086  }
0x1c: {  	p1 =	slt.u32 s9, $0xF7A;
	s5 =	simm.s32 @!p2 $0x0  }
0x1d: {  	s5 =	simm.s32 @p1 $0x1;
	p0 =	seq.s32 s7, s2  }
0x1e: {  	s7 =	smul.u32 @!p0 $0xF7A, s2;
	p2 =	seq.s32 @!p0 s5, $0x0  }
0x1f: {  	s9 =	smul.u32 $0xF7A, s1;
	s8 =	simm.s32 @!p0 $0x1BF5;
	p2 =	por !p2, p0  }
0x20: {  	[sflag:s8] =	ssyncset.s32 @!p0 $0xFFFFF086;
	s6 =	sadd.s32 @!p0 s3, s7;
	s7 =	simm.s32 @!p0 $0x108  }
0x21: {  	s3 =	sadd.s32 s3, s9;
	s6 =	sadd.s32 @!p0 $0x88, s6;
	s7 =	simm.s32 @p2 $0x1082  }
0x22: {  	[simem:s7], [sflag:s8] =	dma.local @!p0 [hbm:s6], $0xF7A  }
0x23: {  	s9 =	sor.u32 $0xD0000000, s2;
	s6 =	simm.s32 $0x108;
	_ =	swait.ge @!p0 [sflag:s8], $0x0  }
0x24: {  	s3 =	sadd.s32 $0x88, s3;
	s6 =	simm.s32 @!p1 $0x1082;
	[sflag:s4] =	ssyncset.s32 $0xFFFFF086  }
0x25: {  	[simem:s6], [sflag:s4] =	dma.local [hbm:s3], $0xF7A  }
0x26: {  	[smem:$0x3F9E] =	sst s1;
	(tag) =	ssettag s2;
	_ =	strace s9  }
0x27: {  	s1 =	sld [smem:$0x3FAE]  }
0x28: {  	s2 =	sld [smem:$0x3FAF]  }
0x29: {  	s4 =	sld [smem:$0x3FB1]  }
0x2a: {  	p0 =	seq.s32 s5, $0x0;
	s5 =	sld [smem:$0x3FB2]  }
0x2b: {  	s6 =	sld [smem:$0x3FB3]  }
0x2c: {  	s7 =	sld [smem:$0x3FB4]  }
0x2d: {  	s3 =	simm.s32 $0x108;
	s8 =	sld [smem:$0x3FB5]  }
0x2e: {  	s3 =	simm.s32 @!p0 $0x1082;
	s9 =	sld [smem:$0x3FB6]  }
0x2f: {  	lr =	sadd.s32 s0, s3;
	s0 =	sld [smem:$0x3FAD]  }
0x30: {  	s3 =	sld [smem:$0x3FB0]  }
0x31: {  	[smem:$0x3FB9] =	sst s10  }
0x32: {  	s10 =	sld [smem:$0x3FB7];
	_ =	sdelay $0x3  }
0x33: {  	p0 =	seq.s32 s10, $0x1;
	s10 =	sld [smem:$0x3FB9];
	_ =	sdelay $0x3  }
0x34: {  	[smem:$0x3FB9] =	sst s10  }
0x35: {  	s10 =	sld [smem:$0x3FB8];
	_ =	sdelay $0x3  }
0x36: {  	p1 =	seq.s32 s10, $0x1;
	s10 =	sld [smem:$0x3FB9];
	_ =	sdelay $0x3  }
0x37: {  	[smem:$0x3FB9] =	sst s10  }
0x38: {  	s10 =	sld [smem:$0x3FBA]  }
0x39: {  	_ = 	snop;
	(pc) =	sbr.ind lr, $3  }
0x3a: {  	_ = 	snop  }
0x3b: {  	_ = 	snop  }
0x3c: {  	p2 =	seq.s32 s10, $0x1;
	s10 =	sld [smem:$0x3FB9]  }
0x3d: {  	_ =	shalt  }
0x3e: {  	_ =	shalt  }
0x3f: {  	_ =	shalt  }
0x40: {  	_ =	shalt  }
0x41: {  	_ =	shalt  }
0x42: {  	_ =	shalt  }
0x43: {  	_ =	shalt  }
0x44: {  	_ =	shalt  }
0x45: {  	_ =	shalt  }
0x46: {  	_ =	shalt  }
0x47: {  	_ =	shalt  }
0x48: {  	_ =	shalt  }
0x49: {  	_ =	shalt  }
0x4a: {  	_ =	shalt  }
0x4b: {  	_ =	shalt  }
0x4c: {  	_ =	shalt  }
0x4d: {  	_ =	shalt  }
0x4e: {  	_ =	shalt  }
0x4f: {  	_ =	shalt  }
0x50: {  	_ =	shalt  }
0x51: {  	_ =	shalt  }
0x52: {  	_ =	shalt  }
0x53: {  	_ =	shalt  }
0x54: {  	_ =	shalt  }
0x55: {  	_ =	shalt  }
0x56: {  	_ =	shalt  }
0x57: {  	_ =	shalt  }
0x58: {  	_ =	shalt  }
0x59: {  	_ =	shalt  }
0x5a: {  	_ =	shalt  }
0x5b: {  	_ =	shalt  }
0x5c: {  	_ =	shalt  }
0x5d: {  	_ =	shalt  }
0x5e: {  	_ =	shalt  }
0x5f: {  	_ =	shalt  }
0x60: {  	_ =	shalt  }
0x61: {  	_ =	shalt  }
0x62: {  	_ =	shalt  }
0x63: {  	_ =	shalt  }
0x64: {  	_ =	shalt  }
0x65: {  	_ =	shalt  }
0x66: {  	_ =	shalt  }
0x67: {  	_ =	shalt  }
0x68: {  	_ =	shalt  }
0x69: {  	_ =	shalt  }
0x6a: {  	_ =	shalt  }
0x6b: {  	_ =	shalt  }
0x6c: {  	_ =	shalt  }
0x6d: {  	_ =	shalt  }
0x6e: {  	_ =	shalt  }
0x6f: {  	_ =	shalt  }
0x70: {  	_ =	shalt  }
0x71: {  	_ =	shalt  }
0x72: {  	_ =	shalt  }
0x73: {  	_ =	shalt  }
0x74: {  	_ =	shalt  }
0x75: {  	_ =	shalt  }
0x76: {  	_ =	shalt  }
0x77: {  	_ =	shalt  }
0x78: {  	_ =	shalt  }
0x79: {  	_ =	shalt  }
0x7a: {  	_ =	shalt  }
0x7b: {  	_ =	shalt  }
0x7c: {  	_ =	shalt  }
0x7d: {  	_ =	shalt  }
0x7e: {  	_ =	shalt  }
0x7f: {  	_ =	shalt  }
0x80: {  	_ =	shalt  }
0x81: {  	_ =	shalt  }
0x82: {  	_ =	shalt  }
0x83: {  	_ =	shalt  }
0x84: {  	_ =	shalt  }
0x85: {  	_ =	shalt  }
0x86: {  	_ =	shalt  }
0x87: {  	_ =	shalt  }
.Lfunc_end0:
.L_simem_size_0:
called_computation.1_lowered:
.L_overlay_start_0:
0x88: {  	s2 =	sld [smem:$0x3FD9]  }
0x89: {  	s3 =	sld [smem:$0x3FFE];
	_ =	sdelay $0x1  }
0x8a: {  	s1 =	srdreg.scid  }
0x8b: {  	s0 =	sand.u32 $0x1, s1  }
0x8c: {  	s17 =	sshll.u32 s0, $0xA;
	s2 =	sadd.s32 s3, s2  }
0x8d: {  	s2 =	sadd.s32 s2, s17  }
0x8e: {  	[smem:$0x3FC5] =	sst s2  }
0x8f: {  	_ = 	snop  }
0x90: {  	s2 =	sld [smem:$0x3FD0];
	(tm) =	ssettm $0x1  }
0x91: {  	s18 =	sld [smem:$0x3FFB];
	_ =	sdelay $0x3  }
0x92: {  	_ =	strace s18  }
0x93: {  	s3 =	sld [smem:$0x3FFC];
	_ =	sdelay $0x3  }
0x94: {  	_ =	strace s3  }
0x95: {  	s3 =	sld [smem:$0x3FFD];
	_ =	sdelay $0x3  }
0x96: {  	_ =	strace s3  }
0x97: {  	_ =	strace $0x8FFFFFFF  }
0x98: {  	s19 =	sld [smem:$0x3FDB];
	_ =	sdelay $0x1  }
0x99: {  	s4 =	simm.s32 $_scs_section_size  }
0x9a: {  	s5 =	simm.s32 $_size__tile_overlayer_lowered;
	s6 =	simm.s32 $_tile_overlayer_lowered  }
0x9b: {  	s22 =	simm.s32 $0x1BFF;
	s21 =	sshll.u32 s6, $0x1;
	s3 =	sadd.s32 s4, s19  }
0x9c: {  	s7 =	simm.s32 $0x0;
	s20 =	sshll.u32 s5, $0x1;
	s5 =	sadd.s32 s21, s3  }
0x9d: {  	[timem:s7], [sflag:s22] =	dma.local [hbm:s5], s20  }
0x9e: {  	_ =	swait.ge [sflag:s22], s20  }
0x9f: {  	s4 =	ssub.s32 $0x0, s20;
	[sflag:s22] =	ssyncset.done $0x0  }
0xa0: {  	[sflag:s22] =	ssyncadd.s32 s4;
	_ =	sdelay $0x1  }
0xa1: {  	s23 =	simm.s32 $0x1B8B  }
0xa2: {  	_ =	swait.ge [sflag:s23], $0x1  }
0xa3: {  	[sflag:s23] =	ssyncset.done $0x0  }
0xa4: {  	s25 =	simm.s32 $0x1B8E;
	s24 =	sld [smem:$0x3FFE];
	[sflag:s23] =	ssyncadd.s32 $0xFFFFFFFF  }
0xa5: {  	s26 =	simm.s32 $execute0_lowered;
	[smem:$0x3FD2] =	sst s25  }
0xa6: {  	s5 =	sshll.u32 s26, $0x1;
	_ =	strace $0x80000046;
	[dreg:$0x1] =	wrdreg $0xFFFFFFFF  }
0xa7: {  	s28 =	simm.s32 $_size_execute0_lowered;
	s3 =	sadd.s32 s3, s5;
	[dreg:$0x0] =	wrdreg $0x0  }
0xa8: {  	s5 =	sshll.u32 s28, $0x1;
	[dreg:$0x2] =	wrdreg s3  }
0xa9: {  	[dreg:$0x3] =	wrdreg s5  }
0xaa: {  	[dreg:$0x4] =	wrdreg $0xC0  }
0xab: {  	_ =	task [dreg:s7], $0x5FFFF  }
0xac: {  	[dreg:$0x1] =	wrdreg $0xFFFFFFFF  }
0xad: {  	[dreg:$0x0] =	wrdreg $0x60  }
0xae: {  	[dreg:$0x2] =	wrdreg s2  }
0xaf: {  	[dreg:$0x3] =	wrdreg s24  }
0xb0: {  	[dreg:$0x4] =	wrdreg $0x9  }
0xb1: {  	_ =	task.clear_ibuf [dreg:s7], $0x5FFFF;
	_ =	strace $0x90000046  }
0xb2: {  	s29 =	simm.s32 $0x9;
	_ =	strace $0x80000048  }
0xb3: {  	_ =	swait.ge [sflag:s29], $0x1  }
0xb4: {  	[sflag:s29] =	ssyncadd.s32 $0xFFFFFFFF  }
0xb5: {  	_ =	strace $0x90000048  }
0xb6: {  	_ =	sfence  }
0xb7: {  	s30 =	sld [smem:$0x0];
	_ =	sdelay $0x2  }
0xb8: {  	s31 =	sshll.u32 s1, $0xD;
	s1 =	sshrl.u32 s1, $0x2  }
0xb9: {  	s3 =	sand.u32 $0x4000, s31;
	s1 =	sadd.s32 s1, s30  }
0xba: {  	s0 =	sor.u32 s3, s0;
	s1 =	sshll.u32 s1, $0x11  }
0xbb: {  	s0 =	sor.u32 s1, s0  }
0xbc: {  	s0 =	sadd.s32 $0x8F2B, s0  }
0xbd: {  	[sflag:s0] =	ssyncadd.remote.s32 $0x1  }
0xbe: {  	_ =	sfence.sel $0xFFFF  }
0xbf: {  	[dreg:$0x0] =	wrdreg $0xFFFFFFFF;
	(pc) =	sbr.abs _section_cstart, $3  }
0xc0: {  	[dreg:$0x1] =	wrdreg $0xFFFFFFFF  }
0xc1: {  	_ =	task.clear_ibuf [dreg:s7], $0x2FFFF;
	_ =	strace $0x9FFFFFFF  }
0xc2: {  	(tm) =	ssettm $0x7FFFFFFF  }
0xc3: {  	_ =	shalt  }
tec
execute0_lowered:
.L_overlay_start_1:
0x0: {  	(tag) =	ssettag $0x1  }
0x1: {  	s0 =	rddreg [dreg:$0x0];
	s1 =	srdreg.scid  }
0x2: {  	s2 =	stileid.u32;
	s5 =	rddreg [dreg:$0x1]  }
0x3: {  	s9 =	simm.s32 $0x5;
	s11 =	simm.s32 $0x6400;
	s12 =	simm.s32 $0x80  }
0x4: {  	s13 =	simm.s32 $0xA400;
	s14 =	simm.s32 $0x1;
	s15 =	simm.s32 $0xE400  }
0x5: {  	s16 =	simm.s32 $0x2;
	s17 =	simm.s32 $0x12400;
	s18 =	simm.s32 $0x3  }
0x6: {  	s19 =	simm.s32 $0x4;
	s1 =	sand.u32 $0x1, s1;
	s3 =	sshll.u32 s2, $0x1  }
0x7: {  	s2 =	simm.s32 $0x0;
	s3 =	sor.u32 s1, s3;
	s1 =	ssub.s32 $0x2, s1  }
0x8: {  	[smem:$0x7FF] =	sst s2;
	s3 =	smul.u32 $0x6400, s3;
	s6 =	sshrl.u32 s1, $0x1  }
0x9: {  	s7 =	sadd.s32 $0xF43200, s5;
	_ =	strace $0x80000047;
	s1 =	ssub.s32 s1, s6  }
0xa: {  	[dreg:$0x5] =	wrdreg s7;
	s30 =	sshrl.u32 s3, $0x3;
	s31 =	smax.u32 s1, $0x1  }
0xb: {  	s20 =	simm.s32 $0x0;
	s0 =	sadd.s32 s0, s30;
	[dreg:$0x7] =	wrdreg s31  }
0xc: {  	s4 =	sadd.s32 $0xF43A00, s5;
	s6 =	sadd.s32 $0xE00, s5;
	[dreg:$0x6] =	wrdreg s0  }
.LBB2_1:
0xd: {  	s0 =	rddreg [dreg:$0x6]  }
0xe: {  	[tilespmem:s2], [sflag:$0x5] =	stream.linear.gather [hbm4b:s0+s2], $0x6400, $0x38;
	[tilespmem:$0x19800] =	vst v63  }
0xf: {  	_ =	swait.ge [sflag:s9], $0x6400  }
0x10: {  	[sflag:s9] =	ssyncset.done $0x0  }
0x11: {  	s1 =	simm.s32 $0x16400;
	s31 =	rddreg [dreg:$0x5];
	[sflag:s9] =	ssyncadd.s32 $0xFFFF9C00  }
0x12: {  	[tilespmem:s1], [sflag:$0x5] =	stream.linear.gather [hbm4b:s31+s2], $0x3200, $0x38;
	[tilespmem:$0x19800] =	vst v63  }
0x13: {  	_ =	swait.ge [sflag:s9], $0x3200  }
0x14: {  	s21 =	simm.s32 $0x80;
	[sflag:s9] =	ssyncset.done $0x0  }
0x15: {  	s22 =	simm.s32 $0x0;
	s23 =	simm.s32 $0x0;
	[sflag:s9] =	ssyncadd.s32 $0xFFFFCE00  }
0x16: {  	[tilespmem:s11], [sflag:$0x1] =	stream.indirect.gather [hbm4b:s4+s12], $0x80, s2, s12, $0xb8;
	[tilespmem:$0x19800] =	vst v63  }
.LBB2_2:
0x17: {  	s0 =	smulhi.u32 $0x51EB851F, s21  }
0x18: {  	s1 =	smulhi.u32 $0x51EB851F, s22  }
0x19: {  	s0 =	sshrl.u32 s0, $0x6  }
0x1a: {  	s1 =	sshrl.u32 s1, $0x6;
	s0 =	smul.u32 $0xC8, s0  }
0x1b: {  	s1 =	smul.u32 $0xC8, s1  }
0x1c: {  	s0 =	ssub.s32 s22, s0  }
0x1d: {  	p0 =	seq.s32 s23, $0x0;
	s1 =	ssub.s32 s22, s1;
	[dreg:$0x4] =	wrdreg s0  }
0x1e: {  	s5 =	sshll.u32 s23, $0x1;
	[dreg:$0x3] =	wrdreg s1;
	s1 =	simm.s32 @!p0 $0x3  }
0x1f: {  	s0 =	sor.u32 $0x1, s5;
	_ =	swait.ge @!p0 [sflag:s1], $0x4000  }
0x20: {  	s24 =	sshll.u32 s0, $0x7;
	[sflag:s1] =	ssyncset.done @!p0 $0x0  }
0x21: {  	s0 =	sand.u32 $0x3FFFFF80, s24;
	[sflag:s1] =	ssyncadd.s32 @!p0 $0xFFFFC000  }
0x22: {  	[tilespmem:s13], [sflag:$0x2] =	stream.indirect.gather [hbm4b:s4+s12], $0x80, s0, s12, $0xb8;
	[tilespmem:$0x19800] =	vst v63  }
0x23: {  	_ =	swait.ge [sflag:s14], $0x4000  }
0x24: {  	s7 =	rddreg [dreg:$0x3]  }
0x25: {  	s8 =	sadd.s32 $0xFFFFFFFC, s7  }
0x26: {  	s0 =	sadd.s32 $0x4, s8  }
0x27: {  	p1 =	slt.u32 s0, $0xC8;
	s0 =	simm.s32 $0x0  }
0x28: {  	s0 =	simm.s32 @!p1 $0xFFFF38  }
0x29: {  	[sflag:s14] =	ssyncset.done $0x0;
	s5 =	sadd.s32 s0, s8  }
0x2a: {  	[sflag:s14] =	ssyncadd.s32 $0xFFFFC000;
	s0 =	simm.s32 $0x6500;
	s5 =	sshll.u32 s5, $0x8  }
0x2b: {  	v0 =	vld [tilespmem:s0+$0xFFFFFF00];
	s5 =	sadd.s32 $0x400, s5  }
0x2c: {  	s5 =	sshra.s32 s5, $0x2  }
0x2d: {  	v1 =	vld [tilespmem:s5+$0x16400];
	_ =	sdelay $0x2  }
0x2e: {  	v0 =	vmul.f32 $8.000000000e+00, v0;
	_ =	sdelay $0x1  }
0x2f: {  	v0 =	vadd.f32 v1, v0  }
0x30: {  	s26 =	simm.s32 $0xE500  }
0x31: {  	[tilespmem:s26+$0xFFFFFF00] =	vst v0  }
0x32: {  	v0 =	vld [tilespmem:s0+$0xFFFFFF10];
	_ =	sdelay $0x1  }
0x33: {  	v1 =	vld [tilespmem:s5+$0x16410];
	_ =	sdelay $0x2  }
0x34: {  	v0 =	vmul.f32 $8.000000000e+00, v0;
	_ =	sdelay $0x1  }
0x35: {  	v0 =	vadd.f32 v1, v0;
	_ =	sdelay $0x1  }
0x36: {  	[tilespmem:s26+$0xFFFFFF10] =	vst v0  }
0x37: {  	v0 =	vld [tilespmem:s0+$0xFFFFFF20];
	_ =	sdelay $0x1  }
0x38: {  	v1 =	vld [tilespmem:s5+$0x16420];
	_ =	sdelay $0x2  }
0x39: {  	v0 =	vmul.f32 $8.000000000e+00, v0;
	_ =	sdelay $0x1  }
0x3a: {  	v0 =	vadd.f32 v1, v0;
	_ =	sdelay $0x1  }
0x3b: {  	[tilespmem:s26+$0xFFFFFF20] =	vst v0  }
0x3c: {  	s10 =	sadd.s32 $0x5, s8;
	v0 =	vld [tilespmem:s0+$0xFFFFFF30]  }
0x3d: {  	s25 =	simm.s32 $0x0;
	p1 =	slt.u32 s10, $0xC8  }
0x3e: {  	s25 =	simm.s32 @!p1 $0xFFFFFF38;
	v1 =	vld [tilespmem:s5+$0x16430]  }
0x3f: {  	s25 =	sadd.s32 s25, s10  }
0x40: {  	s10 =	sand.u32 $0x8000, s25  }
0x41: {  	s10 =	sshrl.u32 s10, $0xF;
	v0 =	vmul.f32 $8.000000000e+00, v0  }
0x42: {  	s10 =	sadd.s32 s10, s25  }
0x43: {  	s10 =	sshll.u32 s10, $0x10;
	v0 =	vadd.f32 v1, v0  }
0x44: {  	s10 =	sshra.s32 s10, $0x11;
	s5 =	sshra.s32 s25, $0x1F  }
0x45: {  	s5 =	sadd.s32 s10, s5;
	[tilespmem:s26+$0xFFFFFF30] =	vst v0  }
0x46: {  	s5 =	sshll.u32 s5, $0x9;
	v0 =	vld [tilespmem:s0+$0xFFFFFF80]  }
0x47: {  	s5 =	sshra.s32 s5, $0x2  }
0x48: {  	v1 =	vld [tilespmem:s5+$0x16440];
	_ =	sdelay $0x2  }
0x49: {  	v0 =	vmul.f32 $8.000000000e+00, v0;
	_ =	sdelay $0x1  }
0x4a: {  	v0 =	vadd.f32 v1, v0;
	_ =	sdelay $0x1  }
0x4b: {  	[tilespmem:s26+$0xFFFFFF80] =	vst v0  }
0x4c: {  	v0 =	vld [tilespmem:s0+$0xFFFFFF90];
	_ =	sdelay $0x1  }
0x4d: {  	v1 =	vld [tilespmem:s5+$0x16450];
	_ =	sdelay $0x2  }
0x4e: {  	v0 =	vmul.f32 $8.000000000e+00, v0;
	_ =	sdelay $0x1  }
0x4f: {  	v0 =	vadd.f32 v1, v0;
	_ =	sdelay $0x1  }
0x50: {  	[tilespmem:s26+$0xFFFFFF90] =	vst v0  }
0x51: {  	v0 =	vld [tilespmem:s0+$0xFFFFFFA0];
	_ =	sdelay $0x1  }
0x52: {  	v1 =	vld [tilespmem:s5+$0x16460];
	_ =	sdelay $0x2  }
0x53: {  	v0 =	vmul.f32 $8.000000000e+00, v0;
	_ =	sdelay $0x1  }
0x54: {  	v0 =	vadd.f32 v1, v0;
	_ =	sdelay $0x1  }
0x55: {  	[tilespmem:s26+$0xFFFFFFA0] =	vst v0  }
0x56: {  	v0 =	vld [tilespmem:s0+$0xFFFFFFB0];
	_ =	sdelay $0x1  }
0x57: {  	v1 =	vld [tilespmem:s5+$0x16470];
	_ =	sdelay $0x2  }
0x58: {  	s7 =	sadd.s32 $0x6, s8;
	v0 =	vmul.f32 $8.000000000e+00, v0  }
0x59: {  	p1 =	slt.u32 s7, $0xC8;
	s5 =	simm.s32 $0x0  }
0x5a: {  	s5 =	simm.s32 @!p1 $0xFFFF38;
	v0 =	vadd.f32 v1, v0  }
0x5b: {  	s5 =	sadd.s32 s5, s8  }
0x5c: {  	s5 =	sshll.u32 s5, $0x8;
	[tilespmem:s26+$0xFFFFFFB0] =	vst v0  }
0x5d: {  	s5 =	sadd.s32 $0x600, s5;
	v0 =	vld [tilespmem:s0+$0x0]  }
0x5e: {  	s5 =	sshra.s32 s5, $0x2  }
0x5f: {  	v1 =	vld [tilespmem:s5+$0x16400];
	_ =	sdelay $0x2  }
0x60: {  	v0 =	vmul.f32 $8.000000000e+00, v0;
	_ =	sdelay $0x1  }
0x61: {  	v0 =	vadd.f32 v1, v0;
	_ =	sdelay $0x1  }
0x62: {  	[tilespmem:s26+$0x0] =	vst v0  }
0x63: {  	v0 =	vld [tilespmem:s0+$0x10];
	_ =	sdelay $0x1  }
0x64: {  	v1 =	vld [tilespmem:s5+$0x16410];
	_ =	sdelay $0x2  }
0x65: {  	v0 =	vmul.f32 $8.000000000e+00, v0;
	_ =	sdelay $0x1  }
0x66: {  	v0 =	vadd.f32 v1, v0;
	_ =	sdelay $0x1  }
0x67: {  	[tilespmem:s26+$0x10] =	vst v0  }
0x68: {  	v0 =	vld [tilespmem:s0+$0x20];
	_ =	sdelay $0x1  }
0x69: {  	v1 =	vld [tilespmem:s5+$0x16420];
	_ =	sdelay $0x2  }
0x6a: {  	v0 =	vmul.f32 $8.000000000e+00, v0;
	_ =	sdelay $0x1  }
0x6b: {  	v0 =	vadd.f32 v1, v0;
	_ =	sdelay $0x1  }
0x6c: {  	[tilespmem:s26+$0x20] =	vst v0  }
0x6d: {  	s1 =	sadd.s32 $0x7, s8;
	v0 =	vld [tilespmem:s0+$0x30]  }
0x6e: {  	s10 =	simm.s32 $0x0;
	p1 =	slt.u32 s1, $0xC8  }
0x6f: {  	s10 =	simm.s32 @!p1 $0xFFFFFF38;
	v1 =	vld [tilespmem:s5+$0x16430]  }
0x70: {  	s1 =	sadd.s32 s10, s1  }
0x71: {  	s8 =	sand.u32 $0x8000, s1  }
0x72: {  	s5 =	sshrl.u32 s8, $0xF;
	v0 =	vmul.f32 $8.000000000e+00, v0  }
0x73: {  	s5 =	sadd.s32 s5, s1  }
0x74: {  	s5 =	sshll.u32 s5, $0x10;
	v0 =	vadd.f32 v1, v0  }
0x75: {  	s1 =	sshra.s32 s1, $0x1F;
	s5 =	sshra.s32 s5, $0x11  }
0x76: {  	s1 =	sadd.s32 s5, s1;
	[tilespmem:s26+$0x30] =	vst v0  }
0x77: {  	s1 =	sshll.u32 s1, $0x9;
	v0 =	vld [tilespmem:s0+$0x80]  }
0x78: {  	s1 =	sshra.s32 s1, $0x2  }
0x79: {  	v1 =	vld [tilespmem:s1+$0x16440];
	_ =	sdelay $0x2  }
0x7a: {  	v0 =	vmul.f32 $8.000000000e+00, v0;
	_ =	sdelay $0x1  }
0x7b: {  	v0 =	vadd.f32 v1, v0;
	_ =	sdelay $0x1  }
0x7c: {  	[tilespmem:s26+$0x80] =	vst v0  }
0x7d: {  	v0 =	vld [tilespmem:s0+$0x90];
	_ =	sdelay $0x1  }
0x7e: {  	v1 =	vld [tilespmem:s1+$0x16450];
	_ =	sdelay $0x2  }
0x7f: {  	v0 =	vmul.f32 $8.000000000e+00, v0;
	_ =	sdelay $0x1  }
0x80: {  	v0 =	vadd.f32 v1, v0;
	_ =	sdelay $0x1  }
0x81: {  	[tilespmem:s26+$0x90] =	vst v0  }
0x82: {  	v0 =	vld [tilespmem:s0+$0xA0];
	_ =	sdelay $0x1  }
0x83: {  	v1 =	vld [tilespmem:s1+$0x16460];
	_ =	sdelay $0x2  }
0x84: {  	v0 =	vmul.f32 $8.000000000e+00, v0;
	_ =	sdelay $0x1  }
0x85: {  	v0 =	vadd.f32 v1, v0;
	_ =	sdelay $0x1  }
0x86: {  	[tilespmem:s26+$0xA0] =	vst v0  }
0x87: {  	v0 =	vld [tilespmem:s0+$0xB0]  }
0x88: {  	s30 =	simm.s32 $0x4;
	s29 =	simm.s32 $0x6700;
	s10 =	rddreg [dreg:$0x3]  }
0x89: {  	s28 =	simm.s32 $0xE700;
	s31 =	simm.s32 $0x0;
	v1 =	vld [tilespmem:s1+$0x16470];
	s1 =	sadd.s32 $0x0, s10  }
0x8a: {  	s25 =	sshll.u32 s23, $0x8;
	s0 =	simm.s32 $0x0;
	s5 =	sadd.s32 $0x5, s1  }
0x8b: {  	s7 =	sadd.s32 $0x4, s1;
	s8 =	sadd.s32 $0x6, s1;
	p2 =	slt.u32 s5, $0xC8  }
0x8c: {  	p1 =	slt.u32 s7, $0xC8;
	p3 =	slt.u32 s8, $0xC8;
	s0 =	simm.s32 @!p2 $0xFFFFFF38;
	v0 =	vmul.f32 $8.000000000e+00, v0  }
0x8d: {  	s31 =	simm.s32 @!p1 $0xFFFF38;
	s5 =	sadd.s32 s0, s5;
	s0 =	simm.s32 $0x0  }
0x8e: {  	s10 =	sadd.s32 $0x7, s1;
	s31 =	sadd.s32 s31, s1;
	s0 =	simm.s32 @!p3 $0xFFFF38;
	v0 =	vadd.f32 v1, v0  }
.LBB2_3:
0x8f: {  	_ = 	snop  }
0x90: {  	s7 =	sshll.u32 s31, $0x8;
	[tilespmem:s26+$0xB0] =	vst v0  }
0x91: {  	s7 =	sadd.s32 $0x400, s7;
	v0 =	vld [tilespmem:s29+$0xFFFFFF00]  }
0x92: {  	s7 =	sshra.s32 s7, $0x2  }
0x93: {  	v1 =	vld [tilespmem:s7+$0x16400];
	_ =	sdelay $0x2  }
0x94: {  	v0 =	vmul.f32 $8.000000000e+00, v0;
	_ =	sdelay $0x1  }
0x95: {  	v0 =	vadd.f32 v1, v0;
	_ =	sdelay $0x1  }
0x96: {  	[tilespmem:s28+$0xFFFFFF00] =	vst v0  }
0x97: {  	v0 =	vld [tilespmem:s29+$0xFFFFFF10];
	_ =	sdelay $0x1  }
0x98: {  	v1 =	vld [tilespmem:s7+$0x16410];
	_ =	sdelay $0x2  }
0x99: {  	v0 =	vmul.f32 $8.000000000e+00, v0;
	_ =	sdelay $0x1  }
0x9a: {  	v0 =	vadd.f32 v1, v0;
	_ =	sdelay $0x1  }
0x9b: {  	[tilespmem:s28+$0xFFFFFF10] =	vst v0  }
0x9c: {  	v0 =	vld [tilespmem:s29+$0xFFFFFF20];
	_ =	sdelay $0x1  }
0x9d: {  	v1 =	vld [tilespmem:s7+$0x16420];
	_ =	sdelay $0x2  }
0x9e: {  	p2 =	slt.u32 s10, $0xC8;
	s8 =	simm.s32 $0x0;
	v0 =	vmul.f32 $8.000000000e+00, v0  }
0x9f: {  	s8 =	simm.s32 @!p2 $0xFFFFFF38  }
0xa0: {  	s8 =	sadd.s32 s8, s10;
	v0 =	vadd.f32 v1, v0  }
0xa1: {  	s10 =	sand.u32 $0x8000, s8  }
0xa2: {  	s10 =	sshrl.u32 s10, $0xF;
	[tilespmem:s28+$0xFFFFFF20] =	vst v0  }
0xa3: {  	s10 =	sadd.s32 s10, s8;
	v0 =	vld [tilespmem:s29+$0xFFFFFF30]  }
0xa4: {  	s10 =	sshll.u32 s10, $0x10  }
0xa5: {  	s8 =	sshra.s32 s8, $0x1F;
	s10 =	sshra.s32 s10, $0x11;
	v1 =	vld [tilespmem:s7+$0x16430]  }
0xa6: {  	s8 =	sadd.s32 s10, s8  }
0xa7: {  	s10 =	sshll.u32 s8, $0x9;
	s8 =	sand.u32 $0x8000, s5  }
0xa8: {  	s7 =	sshrl.u32 s8, $0xF;
	v0 =	vmul.f32 $8.000000000e+00, v0  }
0xa9: {  	s7 =	sadd.s32 s7, s5  }
0xaa: {  	s7 =	sshll.u32 s7, $0x10;
	v0 =	vadd.f32 v1, v0  }
0xab: {  	s8 =	sshra.s32 s5, $0x1F;
	s7 =	sshra.s32 s7, $0x11  }
0xac: {  	s5 =	sadd.s32 s7, s8;
	[tilespmem:s28+$0xFFFFFF30] =	vst v0  }
0xad: {  	s5 =	sshll.u32 s5, $0x9;
	v0 =	vld [tilespmem:s29+$0xFFFFFF80]  }
0xae: {  	s5 =	sshra.s32 s5, $0x2  }
0xaf: {  	v1 =	vld [tilespmem:s5+$0x16440];
	_ =	sdelay $0x2  }
0xb0: {  	v0 =	vmul.f32 $8.000000000e+00, v0;
	_ =	sdelay $0x1  }
0xb1: {  	v0 =	vadd.f32 v1, v0;
	_ =	sdelay $0x1  }
0xb2: {  	[tilespmem:s28+$0xFFFFFF80] =	vst v0  }
0xb3: {  	v0 =	vld [tilespmem:s29+$0xFFFFFF90];
	_ =	sdelay $0x1  }
0xb4: {  	v1 =	vld [tilespmem:s5+$0x16450];
	_ =	sdelay $0x2  }
0xb5: {  	v0 =	vmul.f32 $8.000000000e+00, v0;
	_ =	sdelay $0x1  }
0xb6: {  	v0 =	vadd.f32 v1, v0;
	_ =	sdelay $0x1  }
0xb7: {  	[tilespmem:s28+$0xFFFFFF90] =	vst v0  }
0xb8: {  	v0 =	vld [tilespmem:s29+$0xFFFFFFA0];
	_ =	sdelay $0x1  }
0xb9: {  	v1 =	vld [tilespmem:s5+$0x16460];
	_ =	sdelay $0x2  }
0xba: {  	v0 =	vmul.f32 $8.000000000e+00, v0;
	_ =	sdelay $0x1  }
0xbb: {  	v0 =	vadd.f32 v1, v0;
	_ =	sdelay $0x1  }
0xbc: {  	[tilespmem:s28+$0xFFFFFFA0] =	vst v0  }
0xbd: {  	v0 =	vld [tilespmem:s29+$0xFFFFFFB0];
	_ =	sdelay $0x1  }
0xbe: {  	v1 =	vld [tilespmem:s5+$0x16470];
	_ =	sdelay $0x2  }
0xbf: {  	v0 =	vmul.f32 $8.000000000e+00, v0;
	_ =	sdelay $0x1  }
0xc0: {  	v0 =	vadd.f32 v1, v0  }
0xc1: {  	s0 =	sadd.s32 s0, s1  }
0xc2: {  	s0 =	sshll.u32 s0, $0x8;
	[tilespmem:s28+$0xFFFFFFB0] =	vst v0  }
0xc3: {  	s0 =	sadd.s32 $0x600, s0;
	v0 =	vld [tilespmem:s29+$0x0]  }
0xc4: {  	s0 =	sshra.s32 s0, $0x2  }
0xc5: {  	v1 =	vld [tilespmem:s0+$0x16400];
	_ =	sdelay $0x2  }
0xc6: {  	v0 =	vmul.f32 $8.000000000e+00, v0;
	_ =	sdelay $0x1  }
0xc7: {  	v0 =	vadd.f32 v1, v0;
	_ =	sdelay $0x1  }
0xc8: {  	[tilespmem:s28+$0x0] =	vst v0  }
0xc9: {  	v0 =	vld [tilespmem:s29+$0x10];
	_ =	sdelay $0x1  }
0xca: {  	v1 =	vld [tilespmem:s0+$0x16410];
	_ =	sdelay $0x2  }
0xcb: {  	v0 =	vmul.f32 $8.000000000e+00, v0;
	_ =	sdelay $0x1  }
0xcc: {  	v0 =	vadd.f32 v1, v0;
	_ =	sdelay $0x1  }
0xcd: {  	[tilespmem:s28+$0x10] =	vst v0  }
0xce: {  	v0 =	vld [tilespmem:s29+$0x20];
	_ =	sdelay $0x1  }
0xcf: {  	v1 =	vld [tilespmem:s0+$0x16420];
	_ =	sdelay $0x2  }
0xd0: {  	v0 =	vmul.f32 $8.000000000e+00, v0;
	_ =	sdelay $0x1  }
0xd1: {  	v0 =	vadd.f32 v1, v0;
	_ =	sdelay $0x1  }
0xd2: {  	[tilespmem:s28+$0x20] =	vst v0  }
0xd3: {  	v0 =	vld [tilespmem:s29+$0x30];
	_ =	sdelay $0x1  }
0xd4: {  	v1 =	vld [tilespmem:s0+$0x16430];
	_ =	sdelay $0x2  }
0xd5: {  	v0 =	vmul.f32 $8.000000000e+00, v0;
	_ =	sdelay $0x1  }
0xd6: {  	v0 =	vadd.f32 v1, v0;
	_ =	sdelay $0x1  }
0xd7: {  	[tilespmem:s28+$0x30] =	vst v0  }
0xd8: {  	v0 =	vld [tilespmem:s29+$0x80]  }
0xd9: {  	s1 =	sshra.s32 s10, $0x2  }
0xda: {  	v1 =	vld [tilespmem:s1+$0x16440];
	_ =	sdelay $0x2  }
0xdb: {  	v0 =	vmul.f32 $8.000000000e+00, v0;
	_ =	sdelay $0x1  }
0xdc: {  	v0 =	vadd.f32 v1, v0;
	_ =	sdelay $0x1  }
0xdd: {  	[tilespmem:s28+$0x80] =	vst v0  }
0xde: {  	v0 =	vld [tilespmem:s29+$0x90];
	_ =	sdelay $0x1  }
0xdf: {  	v1 =	vld [tilespmem:s1+$0x16450];
	_ =	sdelay $0x2  }
0xe0: {  	v0 =	vmul.f32 $8.000000000e+00, v0;
	_ =	sdelay $0x1  }
0xe1: {  	v0 =	vadd.f32 v1, v0;
	_ =	sdelay $0x1  }
0xe2: {  	[tilespmem:s28+$0x90] =	vst v0  }
0xe3: {  	v0 =	vld [tilespmem:s29+$0xA0];
	_ =	sdelay $0x1  }
0xe4: {  	v1 =	vld [tilespmem:s1+$0x16460];
	_ =	sdelay $0x2  }
0xe5: {  	v0 =	vmul.f32 $8.000000000e+00, v0;
	_ =	sdelay $0x1  }
0xe6: {  	v0 =	vadd.f32 v1, v0;
	_ =	sdelay $0x1  }
0xe7: {  	[tilespmem:s28+$0xA0] =	vst v0  }
0xe8: {  	s31 =	smov.u32 s30;
	s30 =	sadd.s32 $0x4, s30;
	s26 =	smov.u32 s28;
	v0 =	vld [tilespmem:s29+$0xB0]  }
0xe9: {  	p1 =	slt.u32 s30, $0x7C;
	s5 =	rddreg [dreg:$0x3];
	s0 =	simm.s32 $0x0  }
0xea: {  	s28 =	sadd.s32 $0x200, s28;
	v1 =	vld [tilespmem:s1+$0x16470];
	s29 =	sadd.s32 $0x200, s29;
	s1 =	sadd.s32 s31, s5  }
.Ltmp0:
0xeb: {  	s7 =	sadd.s32 $0x4, s1;
	s8 =	sadd.s32 $0x5, s1;
	(pc) =	sbr.rel @p1 .LBB2_3-.Ltmp0, $4  }
0xec: {  	s10 =	sadd.s32 $0x6, s1;
	p2 =	slt.u32 s7, $0xC8;
	p3 =	slt.u32 s8, $0xC8  }
0xed: {  	p4 =	slt.u32 s10, $0xC8;
	s7 =	simm.s32 $0x0;
	s0 =	simm.s32 @!p2 $0xFFFF38;
	v0 =	vmul.f32 $8.000000000e+00, v0  }
0xee: {  	s7 =	simm.s32 @!p3 $0xFFFFFF38;
	s31 =	sadd.s32 s0, s1;
	s0 =	simm.s32 $0x0  }
0xef: {  	s10 =	sadd.s32 $0x7, s1;
	s5 =	sadd.s32 s7, s8;
	s0 =	simm.s32 @!p4 $0xFFFF38;
	v0 =	vadd.f32 v1, v0  }
0xf0: {  	_ = 	snop  }
0xf1: {  	s7 =	sshll.u32 s31, $0x8;
	[tilespmem:s26+$0xB0] =	vst v0  }
0xf2: {  	s7 =	sadd.s32 $0x400, s7;
	v0 =	vld [tilespmem:s29+$0xFFFFFF00]  }
0xf3: {  	s7 =	sshra.s32 s7, $0x2  }
0xf4: {  	v1 =	vld [tilespmem:s7+$0x16400];
	_ =	sdelay $0x2  }
0xf5: {  	v0 =	vmul.f32 $8.000000000e+00, v0;
	_ =	sdelay $0x1  }
0xf6: {  	v0 =	vadd.f32 v1, v0;
	_ =	sdelay $0x1  }
0xf7: {  	[tilespmem:s28+$0xFFFFFF00] =	vst v0  }
0xf8: {  	v0 =	vld [tilespmem:s29+$0xFFFFFF10];
	_ =	sdelay $0x1  }
0xf9: {  	v1 =	vld [tilespmem:s7+$0x16410];
	_ =	sdelay $0x2  }
0xfa: {  	v0 =	vmul.f32 $8.000000000e+00, v0;
	_ =	sdelay $0x1  }
0xfb: {  	v0 =	vadd.f32 v1, v0;
	_ =	sdelay $0x1  }
0xfc: {  	[tilespmem:s28+$0xFFFFFF10] =	vst v0  }
0xfd: {  	v0 =	vld [tilespmem:s29+$0xFFFFFF20];
	_ =	sdelay $0x1  }
0xfe: {  	v1 =	vld [tilespmem:s7+$0x16420];
	_ =	sdelay $0x2  }
0xff: {  	v0 =	vmul.f32 $8.000000000e+00, v0;
	_ =	sdelay $0x1  }
0x100: {  	v0 =	vadd.f32 v1, v0;
	_ =	sdelay $0x1  }
0x101: {  	[tilespmem:s28+$0xFFFFFF20] =	vst v0  }
0x102: {  	v0 =	vld [tilespmem:s29+$0xFFFFFF30];
	_ =	sdelay $0x1  }
0x103: {  	v1 =	vld [tilespmem:s7+$0x16430];
	_ =	sdelay $0x1  }
0x104: {  	s30 =	sand.u32 $0x8000, s5  }
0x105: {  	s7 =	sshrl.u32 s30, $0xF;
	v0 =	vmul.f32 $8.000000000e+00, v0  }
0x106: {  	s7 =	sadd.s32 s7, s5  }
0x107: {  	s7 =	sshll.u32 s7, $0x10;
	v0 =	vadd.f32 v1, v0  }
0x108: {  	s31 =	sshra.s32 s5, $0x1F;
	s7 =	sshra.s32 s7, $0x11  }
0x109: {  	s5 =	sadd.s32 s7, s31;
	[tilespmem:s28+$0xFFFFFF30] =	vst v0  }
0x10a: {  	s5 =	sshll.u32 s5, $0x9;
	v0 =	vld [tilespmem:s29+$0xFFFFFF80]  }
0x10b: {  	s5 =	sshra.s32 s5, $0x2  }
0x10c: {  	v1 =	vld [tilespmem:s5+$0x16440];
	_ =	sdelay $0x2  }
0x10d: {  	v0 =	vmul.f32 $8.000000000e+00, v0;
	_ =	sdelay $0x1  }
0x10e: {  	v0 =	vadd.f32 v1, v0;
	_ =	sdelay $0x1  }
0x10f: {  	[tilespmem:s28+$0xFFFFFF80] =	vst v0  }
0x110: {  	v0 =	vld [tilespmem:s29+$0xFFFFFF90];
	_ =	sdelay $0x1  }
0x111: {  	v1 =	vld [tilespmem:s5+$0x16450];
	_ =	sdelay $0x2  }
0x112: {  	v0 =	vmul.f32 $8.000000000e+00, v0;
	_ =	sdelay $0x1  }
0x113: {  	v0 =	vadd.f32 v1, v0;
	_ =	sdelay $0x1  }
0x114: {  	[tilespmem:s28+$0xFFFFFF90] =	vst v0  }
0x115: {  	v0 =	vld [tilespmem:s29+$0xFFFFFFA0];
	_ =	sdelay $0x1  }
0x116: {  	v1 =	vld [tilespmem:s5+$0x16460];
	_ =	sdelay $0x2  }
0x117: {  	v0 =	vmul.f32 $8.000000000e+00, v0;
	_ =	sdelay $0x1  }
0x118: {  	v0 =	vadd.f32 v1, v0;
	_ =	sdelay $0x1  }
0x119: {  	[tilespmem:s28+$0xFFFFFFA0] =	vst v0  }
0x11a: {  	v0 =	vld [tilespmem:s29+$0xFFFFFFB0];
	_ =	sdelay $0x1  }
0x11b: {  	v1 =	vld [tilespmem:s5+$0x16470];
	_ =	sdelay $0x2  }
0x11c: {  	v0 =	vmul.f32 $8.000000000e+00, v0;
	_ =	sdelay $0x1  }
0x11d: {  	v0 =	vadd.f32 v1, v0  }
0x11e: {  	s0 =	sadd.s32 s0, s1  }
0x11f: {  	s0 =	sshll.u32 s0, $0x8;
	[tilespmem:s28+$0xFFFFFFB0] =	vst v0  }
0x120: {  	s0 =	sadd.s32 $0x600, s0;
	v0 =	vld [tilespmem:s29+$0x0]  }
0x121: {  	s0 =	sshra.s32 s0, $0x2  }
0x122: {  	v1 =	vld [tilespmem:s0+$0x16400];
	_ =	sdelay $0x2  }
0x123: {  	v0 =	vmul.f32 $8.000000000e+00, v0;
	_ =	sdelay $0x1  }
0x124: {  	v0 =	vadd.f32 v1, v0;
	_ =	sdelay $0x1  }
0x125: {  	[tilespmem:s28+$0x0] =	vst v0  }
0x126: {  	v0 =	vld [tilespmem:s29+$0x10];
	_ =	sdelay $0x1  }
0x127: {  	v1 =	vld [tilespmem:s0+$0x16410];
	_ =	sdelay $0x2  }
0x128: {  	v0 =	vmul.f32 $8.000000000e+00, v0;
	_ =	sdelay $0x1  }
0x129: {  	v0 =	vadd.f32 v1, v0;
	_ =	sdelay $0x1  }
0x12a: {  	[tilespmem:s28+$0x10] =	vst v0  }
0x12b: {  	v0 =	vld [tilespmem:s29+$0x20];
	_ =	sdelay $0x1  }
0x12c: {  	v1 =	vld [tilespmem:s0+$0x16420];
	_ =	sdelay $0x2  }
0x12d: {  	v0 =	vmul.f32 $8.000000000e+00, v0;
	_ =	sdelay $0x1  }
0x12e: {  	v0 =	vadd.f32 v1, v0;
	_ =	sdelay $0x1  }
0x12f: {  	[tilespmem:s28+$0x20] =	vst v0  }
0x130: {  	v0 =	vld [tilespmem:s29+$0x30]  }
0x131: {  	p1 =	slt.u32 s10, $0xC8;
	s1 =	simm.s32 $0x0  }
0x132: {  	s1 =	simm.s32 @!p1 $0xFFFFFF38;
	v1 =	vld [tilespmem:s0+$0x16430]  }
0x133: {  	s7 =	sadd.s32 s1, s10  }
0x134: {  	s1 =	sand.u32 $0x8000, s7  }
0x135: {  	s1 =	sshrl.u32 s1, $0xF;
	v0 =	vmul.f32 $8.000000000e+00, v0  }
0x136: {  	s1 =	sadd.s32 s1, s7  }
0x137: {  	s1 =	sshll.u32 s1, $0x10;
	v0 =	vadd.f32 v1, v0  }
0x138: {  	s1 =	sshra.s32 s1, $0x11;
	s0 =	sshra.s32 s7, $0x1F  }
0x139: {  	s0 =	sadd.s32 s1, s0;
	[tilespmem:s28+$0x30] =	vst v0  }
0x13a: {  	s0 =	sshll.u32 s0, $0x9;
	v0 =	vld [tilespmem:s29+$0x80]  }
0x13b: {  	s0 =	sshra.s32 s0, $0x2  }
0x13c: {  	v1 =	vld [tilespmem:s0+$0x16440];
	_ =	sdelay $0x2  }
0x13d: {  	v0 =	vmul.f32 $8.000000000e+00, v0;
	_ =	sdelay $0x1  }
0x13e: {  	v0 =	vadd.f32 v1, v0;
	_ =	sdelay $0x1  }
0x13f: {  	[tilespmem:s28+$0x80] =	vst v0  }
0x140: {  	v0 =	vld [tilespmem:s29+$0x90];
	_ =	sdelay $0x1  }
0x141: {  	v1 =	vld [tilespmem:s0+$0x16450];
	_ =	sdelay $0x2  }
0x142: {  	v0 =	vmul.f32 $8.000000000e+00, v0;
	_ =	sdelay $0x1  }
0x143: {  	v0 =	vadd.f32 v1, v0;
	_ =	sdelay $0x1  }
0x144: {  	[tilespmem:s28+$0x90] =	vst v0  }
0x145: {  	v0 =	vld [tilespmem:s29+$0xA0];
	_ =	sdelay $0x1  }
0x146: {  	v1 =	vld [tilespmem:s0+$0x16460];
	_ =	sdelay $0x2  }
0x147: {  	v0 =	vmul.f32 $8.000000000e+00, v0;
	_ =	sdelay $0x1  }
0x148: {  	v0 =	vadd.f32 v1, v0;
	_ =	sdelay $0x1  }
0x149: {  	[tilespmem:s28+$0xA0] =	vst v0  }
0x14a: {  	v0 =	vld [tilespmem:s29+$0xB0];
	_ =	sdelay $0x1  }
0x14b: {  	v1 =	vld [tilespmem:s0+$0x16470];
	_ =	sdelay $0x2  }
0x14c: {  	v0 =	vmul.f32 $8.000000000e+00, v0;
	_ =	sdelay $0x1  }
0x14d: {  	s8 =	sadd.s32 s3, s25;
	v0 =	vadd.f32 v1, v0  }
0x14e: {  	s0 =	sshll.u32 s8, $0x4  }
0x14f: {  	s0 =	sadd.s32 s6, s0;
	[tilespmem:s28+$0xB0] =	vst v0  }
0x150: {  	[hbm4b:s0+s2] =	stream.linear.scatter [tilespmem:s15], [sflag:$0x3], $0x4000, $0x38;
	[tilespmem:$0x19800] =	vst v63  }
0x151: {  	s0 =	simm.s32 @!p0 $0x4  }
0x152: {  	p1 =	seq.s32 @!p0 s23, $0x63;
	_ =	swait.ge @!p0 [sflag:s0], $0x4000  }
0x153: {  	p1 =	por p0, !p1;
	[sflag:s0] =	ssyncset.done @!p0 $0x0  }
0x154: {  	[sflag:s0] =	ssyncadd.s32 @!p0 $0xFFFFC000;
	s0 =	sand.u32 @p1 $0x3FFFFF00, s25  }
0x155: {  	s0 =	sadd.s32 @p1 $0x100, s0  }
0x156: {  	[tilespmem:s11], [sflag:$0x1] =	stream.indirect.gather @p1 [hbm4b:s4+s12], $0x80, s0, s12, $0xb8;
	[tilespmem:$0x19800] =	vst v63  }
0x157: {  	_ =	swait.ge [sflag:s16], $0x4000  }
0x158: {  	s10 =	rddreg [dreg:$0x4]  }
0x159: {  	s0 =	sadd.s32 $0xFFFFFFFC, s10  }
0x15a: {  	s25 =	sadd.s32 $0x84, s0  }
0x15b: {  	s1 =	simm.s32 $0x0;
	p0 =	slt.u32 s25, $0xC8  }
0x15c: {  	s1 =	simm.s32 @!p0 $0xFFFF38  }
0x15d: {  	[sflag:s16] =	ssyncset.done $0x0;
	s1 =	sadd.s32 s1, s0  }
0x15e: {  	[sflag:s16] =	ssyncadd.s32 $0xFFFFC000;
	s25 =	simm.s32 $0x0;
	s1 =	sshll.u32 s1, $0x8  }
0x15f: {  	v0 =	vld [tilespmem:s25+$0xA400];
	s1 =	sadd.s32 $0x8400, s1  }
0x160: {  	s1 =	sshra.s32 s1, $0x2  }
0x161: {  	v1 =	vld [tilespmem:s1+$0x16400];
	_ =	sdelay $0x2  }
0x162: {  	v0 =	vmul.f32 $8.000000000e+00, v0;
	_ =	sdelay $0x1  }
0x163: {  	v0 =	vadd.f32 v1, v0  }
0x164: {  	v1 =	vld [tilespmem:s25+$0xA410]  }
0x165: {  	[tilespmem:s25+$0x12400] =	vst v0  }
0x166: {  	v0 =	vld [tilespmem:s1+$0x16410];
	_ =	sdelay $0x2  }
0x167: {  	v1 =	vmul.f32 $8.000000000e+00, v1;
	_ =	sdelay $0x1  }
0x168: {  	v0 =	vadd.f32 v0, v1  }
0x169: {  	v1 =	vld [tilespmem:s25+$0xA420]  }
0x16a: {  	[tilespmem:s25+$0x12410] =	vst v0  }
0x16b: {  	v0 =	vld [tilespmem:s1+$0x16420];
	_ =	sdelay $0x2  }
0x16c: {  	v1 =	vmul.f32 $8.000000000e+00, v1  }
0x16d: {  	s26 =	sadd.s32 $0x85, s0  }
0x16e: {  	s7 =	simm.s32 $0x0;
	p0 =	slt.u32 s26, $0xC8;
	v0 =	vadd.f32 v0, v1  }
0x16f: {  	s7 =	simm.s32 @!p0 $0xFFFFFF38;
	v1 =	vld [tilespmem:s25+$0xA430]  }
0x170: {  	s5 =	sadd.s32 s7, s26;
	[tilespmem:s25+$0x12420] =	vst v0  }
0x171: {  	s29 =	sand.u32 $0x8000, s5;
	v0 =	vld [tilespmem:s1+$0x16430]  }
0x172: {  	s1 =	sshrl.u32 s29, $0xF  }
0x173: {  	s1 =	sadd.s32 s1, s5  }
0x174: {  	v1 =	vmul.f32 $8.000000000e+00, v1;
	s1 =	sshll.u32 s1, $0x10  }
0x175: {  	s5 =	sshra.s32 s5, $0x1F;
	s1 =	sshra.s32 s1, $0x11  }
0x176: {  	s1 =	sadd.s32 s1, s5;
	v0 =	vadd.f32 v0, v1  }
0x177: {  	v1 =	vld [tilespmem:s25+$0xA480];
	s1 =	sshll.u32 s1, $0x9  }
0x178: {  	s1 =	sshra.s32 s1, $0x2;
	[tilespmem:s25+$0x12430] =	vst v0  }
0x179: {  	v0 =	vld [tilespmem:s1+$0x16440];
	_ =	sdelay $0x2  }
0x17a: {  	v1 =	vmul.f32 $8.000000000e+00, v1;
	_ =	sdelay $0x1  }
0x17b: {  	v0 =	vadd.f32 v0, v1  }
0x17c: {  	v1 =	vld [tilespmem:s25+$0xA490]  }
0x17d: {  	[tilespmem:s25+$0x12480] =	vst v0  }
0x17e: {  	v0 =	vld [tilespmem:s1+$0x16450];
	_ =	sdelay $0x2  }
0x17f: {  	v1 =	vmul.f32 $8.000000000e+00, v1;
	_ =	sdelay $0x1  }
0x180: {  	v0 =	vadd.f32 v0, v1  }
0x181: {  	v1 =	vld [tilespmem:s25+$0xA4A0]  }
0x182: {  	[tilespmem:s25+$0x12490] =	vst v0  }
0x183: {  	v0 =	vld [tilespmem:s1+$0x16460];
	_ =	sdelay $0x2  }
0x184: {  	v1 =	vmul.f32 $8.000000000e+00, v1;
	_ =	sdelay $0x1  }
0x185: {  	v0 =	vadd.f32 v0, v1  }
0x186: {  	v1 =	vld [tilespmem:s25+$0xA4B0]  }
0x187: {  	[tilespmem:s25+$0x124A0] =	vst v0  }
0x188: {  	v0 =	vld [tilespmem:s1+$0x16470]  }
0x189: {  	s30 =	sadd.s32 $0x86, s0  }
0x18a: {  	p0 =	slt.u32 s30, $0xC8;
	s1 =	simm.s32 $0x0  }
0x18b: {  	s1 =	simm.s32 @!p0 $0xFFFF38;
	v1 =	vmul.f32 $8.000000000e+00, v1  }
0x18c: {  	s1 =	sadd.s32 s1, s0  }
0x18d: {  	s1 =	sshll.u32 s1, $0x8;
	v0 =	vadd.f32 v0, v1  }
0x18e: {  	s1 =	sadd.s32 $0x8600, s1;
	v1 =	vld [tilespmem:s25+$0xA500]  }
0x18f: {  	s1 =	sshra.s32 s1, $0x2;
	[tilespmem:s25+$0x124B0] =	vst v0  }
0x190: {  	v0 =	vld [tilespmem:s1+$0x16400];
	_ =	sdelay $0x2  }
0x191: {  	v1 =	vmul.f32 $8.000000000e+00, v1;
	_ =	sdelay $0x1  }
0x192: {  	v0 =	vadd.f32 v0, v1  }
0x193: {  	v1 =	vld [tilespmem:s25+$0xA510]  }
0x194: {  	[tilespmem:s25+$0x12500] =	vst v0  }
0x195: {  	v0 =	vld [tilespmem:s1+$0x16410];
	_ =	sdelay $0x2  }
0x196: {  	v1 =	vmul.f32 $8.000000000e+00, v1;
	_ =	sdelay $0x1  }
0x197: {  	v0 =	vadd.f32 v0, v1  }
0x198: {  	v1 =	vld [tilespmem:s25+$0xA520]  }
0x199: {  	[tilespmem:s25+$0x12510] =	vst v0  }
0x19a: {  	v0 =	vld [tilespmem:s1+$0x16420];
	_ =	sdelay $0x2  }
0x19b: {  	v1 =	vmul.f32 $8.000000000e+00, v1  }
0x19c: {  	s0 =	sadd.s32 $0x87, s0  }
0x19d: {  	s5 =	simm.s32 $0x0;
	p0 =	slt.u32 s0, $0xC8;
	v0 =	vadd.f32 v0, v1  }
0x19e: {  	s5 =	simm.s32 @!p0 $0xFFFFFF38;
	v1 =	vld [tilespmem:s25+$0xA530]  }
0x19f: {  	s0 =	sadd.s32 s5, s0;
	[tilespmem:s25+$0x12520] =	vst v0  }
0x1a0: {  	s31 =	sand.u32 $0x8000, s0;
	v0 =	vld [tilespmem:s1+$0x16430]  }
0x1a1: {  	s1 =	sshrl.u32 s31, $0xF  }
0x1a2: {  	s1 =	sadd.s32 s1, s0  }
0x1a3: {  	v1 =	vmul.f32 $8.000000000e+00, v1;
	s1 =	sshll.u32 s1, $0x10  }
0x1a4: {  	s0 =	sshra.s32 s0, $0x1F;
	s1 =	sshra.s32 s1, $0x11  }
0x1a5: {  	s0 =	sadd.s32 s1, s0;
	v0 =	vadd.f32 v0, v1  }
0x1a6: {  	v1 =	vld [tilespmem:s25+$0xA580];
	s0 =	sshll.u32 s0, $0x9  }
0x1a7: {  	s1 =	sshra.s32 s0, $0x2;
	[tilespmem:s25+$0x12530] =	vst v0  }
0x1a8: {  	v0 =	vld [tilespmem:s1+$0x16440];
	_ =	sdelay $0x2  }
0x1a9: {  	v1 =	vmul.f32 $8.000000000e+00, v1;
	_ =	sdelay $0x1  }
0x1aa: {  	v0 =	vadd.f32 v0, v1  }
0x1ab: {  	v1 =	vld [tilespmem:s25+$0xA590]  }
0x1ac: {  	[tilespmem:s25+$0x12580] =	vst v0  }
0x1ad: {  	v0 =	vld [tilespmem:s1+$0x16450];
	_ =	sdelay $0x2  }
0x1ae: {  	v2 =	vld [tilespmem:s25+$0xA5A0];
	v1 =	vmul.f32 $8.000000000e+00, v1;
	_ =	sdelay $0x1  }
0x1af: {  	v0 =	vadd.f32 v0, v1;
	_ =	sdelay $0x1  }
0x1b0: {  	[tilespmem:s25+$0x12590] =	vst v0  }
0x1b1: {  	s28 =	simm.s32 $0x0;
	s26 =	simm.s32 $0x0;
	v1 =	vmul.f32 $8.000000000e+00, v2;
	v0 =	vld [tilespmem:s1+$0x16460]  }
.LBB2_5:
0x1b2: {  	_ =	sdelay $0x3  }
0x1b3: {  	v0 =	vadd.f32 v0, v1  }
0x1b4: {  	v1 =	vld [tilespmem:s25+$0xA5B0]  }
0x1b5: {  	s0 =	rddreg [dreg:$0x4];
	s5 =	smov.u32 s28;
	[tilespmem:s25+$0x125A0] =	vst v0  }
0x1b6: {  	s0 =	sadd.s32 s5, s0;
	v0 =	vld [tilespmem:s1+$0x16470]  }
0x1b7: {  	s7 =	sadd.s32 $0x84, s0  }
0x1b8: {  	p1 =	slt.u32 s7, $0xC8;
	s1 =	simm.s32 $0x0  }
0x1b9: {  	s1 =	simm.s32 @!p1 $0xFFFF38;
	v1 =	vmul.f32 $8.000000000e+00, v1  }
0x1ba: {  	s26 =	sadd.s32 $0x800, s26;
	s1 =	sadd.s32 s1, s0  }
0x1bb: {  	s8 =	sshra.s32 s26, $0x2;
	s1 =	sshll.u32 s1, $0x8;
	v0 =	vadd.f32 v0, v1  }
0x1bc: {  	s1 =	sadd.s32 $0x8400, s1;
	v1 =	vld [tilespmem:s8+$0xA400]  }
0x1bd: {  	s1 =	sshra.s32 s1, $0x2;
	[tilespmem:s25+$0x125B0] =	vst v0  }
0x1be: {  	v0 =	vld [tilespmem:s1+$0x16400];
	_ =	sdelay $0x2  }
0x1bf: {  	v1 =	vmul.f32 $8.000000000e+00, v1;
	_ =	sdelay $0x1  }
0x1c0: {  	s25 =	smov.u32 s8;
	v0 =	vadd.f32 v0, v1  }
0x1c1: {  	v1 =	vld [tilespmem:s25+$0xA410]  }
0x1c2: {  	[tilespmem:s25+$0x12400] =	vst v0  }
0x1c3: {  	v0 =	vld [tilespmem:s1+$0x16410];
	_ =	sdelay $0x2  }
0x1c4: {  	v1 =	vmul.f32 $8.000000000e+00, v1;
	_ =	sdelay $0x1  }
0x1c5: {  	v0 =	vadd.f32 v0, v1  }
0x1c6: {  	v1 =	vld [tilespmem:s25+$0xA420]  }
0x1c7: {  	[tilespmem:s25+$0x12410] =	vst v0  }
0x1c8: {  	v0 =	vld [tilespmem:s1+$0x16420];
	_ =	sdelay $0x2  }
0x1c9: {  	v1 =	vmul.f32 $8.000000000e+00, v1  }
0x1ca: {  	s10 =	sadd.s32 $0x85, s0  }
0x1cb: {  	s7 =	simm.s32 $0x0;
	p1 =	slt.u32 s10, $0xC8;
	v0 =	vadd.f32 v0, v1  }
0x1cc: {  	s7 =	simm.s32 @!p1 $0xFFFFFF38;
	v1 =	vld [tilespmem:s25+$0xA430]  }
0x1cd: {  	s5 =	sadd.s32 s7, s10;
	[tilespmem:s25+$0x12420] =	vst v0  }
0x1ce: {  	s29 =	sand.u32 $0x8000, s5;
	v0 =	vld [tilespmem:s1+$0x16430]  }
0x1cf: {  	s1 =	sshrl.u32 s29, $0xF  }
0x1d0: {  	s1 =	sadd.s32 s1, s5  }
0x1d1: {  	v1 =	vmul.f32 $8.000000000e+00, v1;
	s1 =	sshll.u32 s1, $0x10  }
0x1d2: {  	s5 =	sshra.s32 s5, $0x1F;
	s1 =	sshra.s32 s1, $0x11  }
0x1d3: {  	s1 =	sadd.s32 s1, s5;
	v0 =	vadd.f32 v0, v1  }
0x1d4: {  	v1 =	vld [tilespmem:s25+$0xA480];
	s1 =	sshll.u32 s1, $0x9  }
0x1d5: {  	s1 =	sshra.s32 s1, $0x2;
	[tilespmem:s25+$0x12430] =	vst v0  }
0x1d6: {  	v0 =	vld [tilespmem:s1+$0x16440];
	_ =	sdelay $0x2  }
0x1d7: {  	v1 =	vmul.f32 $8.000000000e+00, v1;
	_ =	sdelay $0x1  }
0x1d8: {  	v0 =	vadd.f32 v0, v1  }
0x1d9: {  	v1 =	vld [tilespmem:s25+$0xA490]  }
0x1da: {  	[tilespmem:s25+$0x12480] =	vst v0  }
0x1db: {  	v0 =	vld [tilespmem:s1+$0x16450];
	_ =	sdelay $0x2  }
0x1dc: {  	v1 =	vmul.f32 $8.000000000e+00, v1;
	_ =	sdelay $0x1  }
0x1dd: {  	v0 =	vadd.f32 v0, v1  }
0x1de: {  	v1 =	vld [tilespmem:s25+$0xA4A0]  }
0x1df: {  	[tilespmem:s25+$0x12490] =	vst v0  }
0x1e0: {  	v0 =	vld [tilespmem:s1+$0x16460];
	_ =	sdelay $0x2  }
0x1e1: {  	v1 =	vmul.f32 $8.000000000e+00, v1;
	_ =	sdelay $0x1  }
0x1e2: {  	v0 =	vadd.f32 v0, v1  }
0x1e3: {  	v1 =	vld [tilespmem:s25+$0xA4B0]  }
0x1e4: {  	[tilespmem:s25+$0x124A0] =	vst v0  }
0x1e5: {  	v0 =	vld [tilespmem:s1+$0x16470]  }
0x1e6: {  	s30 =	sadd.s32 $0x86, s0  }
0x1e7: {  	p1 =	slt.u32 s30, $0xC8;
	s1 =	simm.s32 $0x0  }
0x1e8: {  	s1 =	simm.s32 @!p1 $0xFFFF38;
	v1 =	vmul.f32 $8.000000000e+00, v1  }
0x1e9: {  	s1 =	sadd.s32 s1, s0  }
0x1ea: {  	s1 =	sshll.u32 s1, $0x8;
	v0 =	vadd.f32 v0, v1  }
0x1eb: {  	s1 =	sadd.s32 $0x8600, s1;
	v1 =	vld [tilespmem:s25+$0xA500]  }
0x1ec: {  	s1 =	sshra.s32 s1, $0x2;
	[tilespmem:s25+$0x124B0] =	vst v0  }
0x1ed: {  	v0 =	vld [tilespmem:s1+$0x16400];
	_ =	sdelay $0x2  }
0x1ee: {  	v1 =	vmul.f32 $8.000000000e+00, v1;
	_ =	sdelay $0x1  }
0x1ef: {  	v0 =	vadd.f32 v0, v1  }
0x1f0: {  	v1 =	vld [tilespmem:s25+$0xA510]  }
0x1f1: {  	[tilespmem:s25+$0x12500] =	vst v0  }
0x1f2: {  	v0 =	vld [tilespmem:s1+$0x16410];
	_ =	sdelay $0x2  }
0x1f3: {  	v1 =	vmul.f32 $8.000000000e+00, v1;
	_ =	sdelay $0x1  }
0x1f4: {  	v0 =	vadd.f32 v0, v1  }
0x1f5: {  	v1 =	vld [tilespmem:s25+$0xA520]  }
0x1f6: {  	[tilespmem:s25+$0x12510] =	vst v0  }
0x1f7: {  	v0 =	vld [tilespmem:s1+$0x16420];
	_ =	sdelay $0x2  }
0x1f8: {  	v1 =	vmul.f32 $8.000000000e+00, v1  }
0x1f9: {  	s0 =	sadd.s32 $0x87, s0  }
0x1fa: {  	s5 =	simm.s32 $0x0;
	p1 =	slt.u32 s0, $0xC8;
	v0 =	vadd.f32 v0, v1  }
0x1fb: {  	s5 =	simm.s32 @!p1 $0xFFFFFF38;
	v1 =	vld [tilespmem:s25+$0xA530]  }
0x1fc: {  	s0 =	sadd.s32 s5, s0;
	[tilespmem:s25+$0x12520] =	vst v0  }
0x1fd: {  	s31 =	sand.u32 $0x8000, s0;
	v0 =	vld [tilespmem:s1+$0x16430]  }
0x1fe: {  	s1 =	sshrl.u32 s31, $0xF  }
0x1ff: {  	s1 =	sadd.s32 s1, s0  }
0x200: {  	v1 =	vmul.f32 $8.000000000e+00, v1;
	s1 =	sshll.u32 s1, $0x10  }
0x201: {  	s0 =	sshra.s32 s0, $0x1F;
	s1 =	sshra.s32 s1, $0x11  }
0x202: {  	s0 =	sadd.s32 s1, s0;
	v0 =	vadd.f32 v0, v1  }
0x203: {  	v1 =	vld [tilespmem:s25+$0xA580];
	s0 =	sshll.u32 s0, $0x9  }
0x204: {  	s1 =	sshra.s32 s0, $0x2;
	[tilespmem:s25+$0x12530] =	vst v0  }
0x205: {  	v0 =	vld [tilespmem:s1+$0x16440];
	_ =	sdelay $0x2  }
0x206: {  	v1 =	vmul.f32 $8.000000000e+00, v1;
	_ =	sdelay $0x1  }
0x207: {  	v0 =	vadd.f32 v0, v1  }
0x208: {  	v1 =	vld [tilespmem:s25+$0xA590]  }
0x209: {  	[tilespmem:s25+$0x12580] =	vst v0  }
0x20a: {  	v0 =	vld [tilespmem:s1+$0x16450];
	_ =	sdelay $0x2  }
0x20b: {  	v1 =	vmul.f32 $8.000000000e+00, v1  }
0x20c: {  	s28 =	sadd.s32 $0x4, s28  }
0x20d: {  	p0 =	slt.u32 s28, $0x7C;
	v0 =	vadd.f32 v0, v1;
	v1 =	vld [tilespmem:s25+$0xA5A0]  }
.Ltmp1:
0x20e: {  	_ = 	snop;
	(pc) =	sbr.rel @p0 .LBB2_5-.Ltmp1, $3  }
0x20f: {  	_ =	sdelay $0x1  }
0x210: {  	[tilespmem:s25+$0x12590] =	vst v0  }
0x211: {  	v0 =	vld [tilespmem:s1+$0x16460];
	v1 =	vmul.f32 $8.000000000e+00, v1  }
0x212: {  	_ =	sdelay $0x3  }
0x213: {  	v0 =	vadd.f32 v0, v1  }
0x214: {  	v63 =	vld [tilespmem:s25+$0xA5B0]  }
0x215: {  	[tilespmem:s25+$0x125A0] =	vst v0  }
0x216: {  	v0 =	vld [tilespmem:s1+$0x16470];
	_ =	sdelay $0x1  }
0x217: {  	s23 =	sadd.s32 $0x1, s23  }
0x218: {  	p0 =	sne.s32 s23, $0x64;
	v1 =	vmul.f32 $8.000000000e+00, v63  }
.Ltmp2:
0x219: {  	_ = 	snop;
	(pc) =	sbr.rel @p0 .LBB2_2-.Ltmp2, $4  }
0x21a: {  	s0 =	sadd.s32 s3, s24;
	v0 =	vadd.f32 v0, v1  }
0x21b: {  	s0 =	sshll.u32 s0, $0x4  }
0x21c: {  	s22 =	sadd.s32 $0x100, s22;
	s21 =	sadd.s32 $0x100, s21;
	s0 =	sadd.s32 s6, s0;
	[tilespmem:s25+$0x125B0] =	vst v0  }
0x21d: {  	[hbm4b:s0+s2] =	stream.linear.scatter [tilespmem:s17], [sflag:$0x4], $0x4000, $0x38;
	[tilespmem:$0x19800] =	vst v63  }
0x21e: {  	_ =	swait.ge [sflag:s18], $0x4000  }
0x21f: {  	[sflag:s18] =	ssyncset.done $0x0  }
0x220: {  	[sflag:s18] =	ssyncadd.s32 $0xFFFFC000  }
0x221: {  	_ =	swait.ge [sflag:s19], $0x4000  }
0x222: {  	s20 =	sadd.s32 $0x1, s20;
	s0 =	rddreg [dreg:$0x7]  }
0x223: {  	p0 =	sne.s32 s20, s0  }
.Ltmp3:
0x224: {  	_ = 	snop;
	(pc) =	sbr.rel @p0 .LBB2_1-.Ltmp3, $3  }
0x225: {  	_ =	sdelay $0x1  }
0x226: {  	[sflag:s19] =	ssyncset.done $0x0  }
0x227: {  	[sflag:s19] =	ssyncadd.s32 $0xFFFFC000  }
0x228: {  	_ =	sfence.sel $0x180000  }
0x229: {  	[bflag:$0x0] =	sbarrier.arrive $0xFFFF  }
0x22a: {  	_ =	strace $0x90000047  }
0x22b: {  	s0 =	stileid.u32;
	[bflag:$0x2] =	sbarrier.arrive $0xFFFF  }
0x22c: {  	p0 =	sne.s32 s0, $0x0;
	s0 =	rddreg [dreg:$0x2]  }
0x22d: {  	s0 =	sadd.s32 @!p0 $0x100000, s0  }
0x22e: {  	[sflag:s0] =	ssyncadd.tile.s32 @!p0 $0x1;
	_ =	shalt  }
.Lfunc_end2:
_tile_overlayer_lowered:
.L_overlay_start_2:
0x22f: {  	(tag) =	ssettag $0x2  }
0x230: {  	s0 =	rddreg [dreg:$0x0];
	s2 =	stileid.u32  }
0x231: {  	s1 =	rddreg [dreg:$0x1];
	p0 =	sne.s32 s2, $0x0  }
0x232: {  	s3 =	rddreg [dreg:$0x2];
	[bflag:$0x3] =	sbarrier.arrive $0xFFFF;
	s2 =	simm.s32 @!p0 $0x1C05  }
0x233: {  	[timem:s3], [sflag:s2] =	dma.local @!p0 [hbm:s0], s1  }
0x234: {  	s0 =	simm.s32 @!p0 $0x5  }
0x235: {  	_ =	swait.ge @!p0 [sflag:s0], s1  }
0x236: {  	s1 =	ssub.s32 @!p0 $0x0, s1;
	[sflag:s0] =	ssyncset.done @!p0 $0x0  }
0x237: {  	[sflag:s0] =	ssyncadd.s32 @!p0 s1  }
0x238: {  	[bflag:$0x3] =	sbarrier.arrive $0xFFFF  }
0x239: {  	_ =	shalt  }

// kernel: sparse-core-data-format-call.cloned.1.call-start
scs
called_computation_lowered:
.L_overlay_start_0:
0x0: {  	s2 =	sld [smem:$0x3FD9]  }
0x1: {  	s3 =	sld [smem:$0x3FFE];
	_ =	sdelay $0x1  }
0x2: {  	s1 =	srdreg.scid  }
0x3: {  	s0 =	sand.u32 $0x1, s1  }
0x4: {  	s18 =	sshll.u32 s0, $0xA;
	s2 =	sadd.s32 s3, s2  }
0x5: {  	s2 =	sadd.s32 s2, s18  }
0x6: {  	[smem:$0x3FC5] =	sst s2  }
0x7: {  	_ = 	snop  }
0x8: {  	s2 =	sld [smem:$0x3FD0];
	(tm) =	ssettm $0x1  }
0x9: {  	s19 =	sld [smem:$0x3FFB];
	_ =	sdelay $0x3  }
0xa: {  	_ =	strace s19  }
0xb: {  	s3 =	sld [smem:$0x3FFC];
	_ =	sdelay $0x3  }
0xc: {  	_ =	strace s3  }
0xd: {  	s3 =	sld [smem:$0x3FFD];
	_ =	sdelay $0x3  }
0xe: {  	_ =	strace s3  }
0xf: {  	_ =	strace $0x8FFFFFFF  }
0x10: {  	s20 =	sld [smem:$0x3FDB];
	_ =	sdelay $0x1  }
0x11: {  	s4 =	simm.s32 $_scs_section_size  }
0x12: {  	s5 =	simm.s32 $_size__tile_overlayer_lowered;
	s6 =	simm.s32 $_tile_overlayer_lowered  }
0x13: {  	s23 =	simm.s32 $0x1BFF;
	s22 =	sshll.u32 s6, $0x1;
	s3 =	sadd.s32 s4, s20  }
0x14: {  	s7 =	simm.s32 $0x0;
	s21 =	sshll.u32 s5, $0x1;
	s5 =	sadd.s32 s22, s3  }
0x15: {  	[timem:s7], [sflag:s23] =	dma.local [hbm:s5], s21  }
0x16: {  	_ =	swait.ge [sflag:s23], s21  }
0x17: {  	s4 =	ssub.s32 $0x0, s21;
	[sflag:s23] =	ssyncset.done $0x0  }
0x18: {  	[sflag:s23] =	ssyncadd.s32 s4;
	_ =	sdelay $0x1  }
0x19: {  	s24 =	simm.s32 $0x1B8B  }
0x1a: {  	_ =	swait.ge [sflag:s24], $0x1  }
0x1b: {  	[sflag:s24] =	ssyncset.done $0x0  }
0x1c: {  	s26 =	simm.s32 $0x1B8E;
	s25 =	sld [smem:$0x3FFE];
	[sflag:s24] =	ssyncadd.s32 $0xFFFFFFFF  }
0x1d: {  	s27 =	simm.s32 $execute0_lowered;
	[smem:$0x3FD2] =	sst s26  }
0x1e: {  	s5 =	sshll.u32 s27, $0x1;
	_ =	strace $0x80000049;
	[dreg:$0x1] =	wrdreg $0xFFFFFFFF  }
0x1f: {  	s28 =	simm.s32 $_size_execute0_lowered;
	s3 =	sadd.s32 s3, s5;
	[dreg:$0x0] =	wrdreg $0x0  }
0x20: {  	s5 =	sshll.u32 s28, $0x1;
	[dreg:$0x2] =	wrdreg s3  }
0x21: {  	[dreg:$0x3] =	wrdreg s5  }
0x22: {  	[dreg:$0x4] =	wrdreg $0xC0  }
0x23: {  	_ =	task [dreg:s7], $0x5FFFF  }
0x24: {  	[dreg:$0x1] =	wrdreg $0xFFFFFFFF  }
0x25: {  	[dreg:$0x0] =	wrdreg $0x60  }
0x26: {  	[dreg:$0x2] =	wrdreg s25  }
0x27: {  	[dreg:$0x3] =	wrdreg s2  }
0x28: {  	[dreg:$0x4] =	wrdreg $0x9  }
0x29: {  	_ =	task.clear_ibuf [dreg:s7], $0x5FFFF;
	_ =	strace $0x90000049  }
0x2a: {  	s29 =	simm.s32 $0x9;
	_ =	strace $0x8000004B  }
0x2b: {  	_ =	swait.ge [sflag:s29], $0x1  }
0x2c: {  	[sflag:s29] =	ssyncadd.s32 $0xFFFFFFFF  }
0x2d: {  	_ =	strace $0x9000004B  }
0x2e: {  	_ =	sfence  }
0x2f: {  	s30 =	sld [smem:$0x0];
	_ =	sdelay $0x2  }
0x30: {  	s31 =	sshll.u32 s1, $0xD;
	s1 =	sshrl.u32 s1, $0x2  }
0x31: {  	s3 =	sand.u32 $0x4000, s31;
	s1 =	sadd.s32 s1, s30  }
0x32: {  	s0 =	sor.u32 s3, s0;
	s1 =	sshll.u32 s1, $0x11  }
0x33: {  	s0 =	sor.u32 s1, s0  }
0x34: {  	s0 =	sadd.s32 $0x8F2B, s0  }
0x35: {  	[sflag:s0] =	ssyncadd.remote.s32 $0x1  }
0x36: {  	_ =	sfence.sel $0xFFFF  }
0x37: {  	[dreg:$0x0] =	wrdreg $0xFFFFFFFF;
	(pc) =	sbr.abs _section_cstart, $3  }
0x38: {  	[dreg:$0x1] =	wrdreg $0xFFFFFFFF  }
0x39: {  	_ =	task.clear_ibuf [dreg:s7], $0x2FFFF;
	_ =	strace $0x9FFFFFFF  }
0x3a: {  	(tm) =	ssettm $0x7FFFFFFF  }
0x3b: {  	_ =	shalt  }
tec
execute0_lowered:
.L_overlay_start_1:
0x0: {  	(tag) =	ssettag $0x1  }
0x1: {  	s0 =	srdreg.scid  }
0x2: {  	s1 =	sshll.u32 s0, $0x4  }
0x3: {  	s0 =	stileid.u32;
	s1 =	sand.u32 $0x10, s1  }
0x4: {  	s1 =	sor.u32 s0, s1  }
0x5: {  	s6 =	rddreg [dreg:$0x0];
	s4 =	simm.s32 $0x1;
	s2 =	sshll.u32 s1, $0x7  }
0x6: {  	s7 =	simm.s32 $0x2;
	s12 =	simm.s32 $0x0;
	s1 =	ssub.s32 $0x1000, s2  }
0x7: {  	s8 =	simm.s32 $0x8000;
	s13 =	simm.s32 $0x0;
	s3 =	sand.u32 $0xF80, s1  }
0x8: {  	s9 =	simm.s32 $0x0;
	s5 =	sshrl.u32 s1, $0xC;
	p0 =	sne.s32 s3, $0x0  }
.Ltmp0:
0x9: {  	s1 =	rddreg [dreg:$0x2];
	s4 =	simm.s32 @!p0 $0x0;
	(pc) =	sbr.rel .LBB1_1-.Ltmp0, $4  }
0xa: {  	s11 =	simm.s32 $0x0;
	s3 =	rddreg [dreg:$0x1];
	s5 =	sadd.s32 s4, s5  }
0xb: {  	_ =	strace $0x8000004A;
	s4 =	simm.s32 $0x1;
	s5 =	smul.u32 $0xC8, s5  }
0xc: {  	s6 =	sadd.s32 $0xE00, s6;
	s10 =	smov.u32 s2;
	[sflag:s4] =	ssyncpa.u1 $0x0  }
0xd: {  	p0 =	por $0x0, $0x0;
	[sflag:s7] =	ssyncpa.u1 $0x0;
	s7 =	sor.u32 $0x1, s5  }
.LBB1_4:
0xe: {  	s16 =	sshll.u32 s13, $0x3;
	s17 =	sand.u32 $0x78, s13  }
0xf: {  	s30 =	sand.u32 $0x7E00, s13;
	s12 =	sshll.u32 s12, $0xF;
	s16 =	sand.u32 $0xC00, s16  }
0x10: {  	[tilespmem:s15+$0x810 ss:$0x81] =	vst.msk $0xffff, v2;
	s31 =	sand.u32 $0x7, s13;
	s16 =	sor.u32 s17, s16;
	s17 =	sadd.s32 s3, s30  }
0x11: {  	[tilespmem:s15+$0x1020 ss:$0x81] =	vst.msk $0xffff, v0;
	s13 =	sshll.u32 s31, $0x12;
	s12 =	sadd.s32 s12, s17;
	s16 =	sshrl.u32 s16, $0x3  }
0x12: {  	[tilespmem:s15+$0x0 ss:$0x81] =	vst.msk $0xffff, v1;
	s13 =	sor.u32 $0x400, s13;
	s12 =	sadd.s32 s16, s12  }
0x13: {  	[hbm4b:s12+s13] =	stream.strided.scatter [tilespmem:s14], [sflag:$0x2], $0x2000, s8, s13, $0x20;
	[tilespmem:$0x8080] =	vst v63  }
.LBB1_5:
0x14: {  	s14 =	sadd.s32 $0x1, s9  }
0x15: {  	s12 =	sadd.s32 $0x1000, s10;
	s16 =	smov.u32 s10;
	p2 =	sgt.s32 s14, $0xC7  }
0x16: {  	s16 =	smov.u32 @p2 s12  }
0x17: {  	s14 =	simm.s32 @p2 $0x0;
	p2 =	sgt.s32 s16, $0xFFF  }
0x18: {  	s16 =	smov.u32 @p2 s2;
	p2 =	sne.s32 s11, s7  }
.Ltmp1:
0x19: {  	p1 =	slt.u32 s11, $0x2;
	(pc) =	sbr.rel @!p2 .LBB1_6-.Ltmp1, $4  }
0x1a: {  	s15 =	simm.s32 @!p1 $0x2  }
0x1b: {  	s13 =	smov.u32 s10;
	p0 =	por !p0, !p0;
	_ =	swait.ge @!p1 [sflag:s15], $0x2000  }
0x1c: {  	s12 =	smov.u32 s9;
	[sflag:s15] =	ssyncset.done @!p1 $0x0;
	s9 =	smov.u32 s14  }
0x1d: {  	s11 =	sadd.s32 $0x1, s11;
	[sflag:s15] =	ssyncadd.s32 @!p1 $0xFFFFE000;
	s10 =	smov.u32 s16  }
.LBB1_1:
0x1e: {  	p1 =	sge.u32 s11, s5  }
0x1f: {  	s14 =	sand.u32 @!p1 $0x1FFFFFF, s9  }
0x20: {  	s15 =	smulhi.u32 @!p1 $0x147AE15, s14;
	_ =	sdelay $0x1  }
0x21: {  	s15 =	smul.u32 @!p1 $0xC8, s15  }
0x22: {  	s16 =	sxor.u32 @!p1 $0xFFFFFFFF, s11;
	s17 =	smul.u32 @!p1 $0xC80, s10  }
0x23: {  	s31 =	sadd.s32 $0xFFFFFFFF, s11;
	s16 =	sshll.u32 @!p1 s16, $0xD;
	s14 =	ssub.s32 @!p1 s14, s15  }
0x24: {  	s15 =	sand.u32 @!p1 $0x2000, s16;
	s16 =	sadd.s32 @!p1 s6, s17;
	s14 =	sshll.u32 @!p1 s14, $0x4  }
0x25: {  	s17 =	simm.s32 @!p1 $0x6400;
	s14 =	sadd.s32 @!p1 s14, s16;
	s16 =	simm.s32 @!p1 $0x40  }
0x26: {  	[tilespmem:s15], [sflag:$0x1] =	stream.strided.gather @!p1 [hbm4b:s14+s16], $0x2000, s17, s16, $0x38;
	[tilespmem:$0x8080] =	vst v63  }
0x27: {  	p1 =	sge.u32 s31, s5  }
.Ltmp2:
0x28: {  	_ = 	snop;
	(pc) =	sbr.rel @p1 .LBB1_5-.Ltmp2, $1  }
0x29: {  	_ =	sdelay $0x3  }
0x2a: {  	s14 =	simm.s32 $0x1  }
0x2b: {  	_ =	swait.ge [sflag:s4], $0x2000;
	s14 =	simm.s32 @!p0 $0x0  }
0x2c: {  	[sflag:s4] =	ssyncset.done $0x0;
	s15 =	sshll.u32 s14, $0xD  }
0x2d: {  	[sflag:s4] =	ssyncadd.s32 $0xFFFFE000;
	s18 =	sor.u32 $0x20, s15  }
0x2e: {  	s14 =	smul.u32 $0x8100, s14;
	v3 =	vld [tilespmem:s18+$0x10]  }
0x2f: {  	s30 =	sand.u32 $0x1, s11;
	v2 =	vld [tilespmem:s18+$0xFFFFFFF0]  }
0x30: {  	s15 =	smul.u32 $0x8100, s30;
	s14 =	sshrl.u32 s14, $0x2;
	v0 =	vld [tilespmem:s18+$0x0]  }
0x31: {  	v1 =	vld [tilespmem:s18+$0xFFFFFFE0];
	s16 =	sor.u32 $0x4000, s14  }
0x32: {  	s31 =	sshrl.u32 s15, $0x2;
	s15 =	sadd.s32 $0x0, s16  }
0x33: {  	s17 =	simm.s32 $0x4;
	s18 =	sadd.s32 $0x40, s18;
	s14 =	sor.u32 $0x4000, s31;
	[tilespmem:s15+$0x1830 ss:$0x81] =	vst.msk $0xffff, v3  }
.LBB1_3:
0x34: {  	v3 =	vld [tilespmem:s18+$0x10];
	p1 =	sne.s32 s17, $0x1FC;
	[tilespmem:s15+$0x810 ss:$0x81] =	vst.msk $0xffff, v2;
	s19 =	smov.u32 s17;
	s17 =	sadd.s32 $0x4, s17  }
.Ltmp3:
0x35: {  	v2 =	vld [tilespmem:s18+$0xFFFFFFF0];
	[tilespmem:s15+$0x1020 ss:$0x81] =	vst.msk $0xffff, v0;
	(pc) =	sbr.rel @p1 .LBB1_3-.Ltmp3, $4  }
0x36: {  	v0 =	vld [tilespmem:s18+$0x0];
	[tilespmem:s15+$0x0 ss:$0x81] =	vst.msk $0xffff, v1  }
0x37: {  	s15 =	sshra.s32 s19, $0x2;
	v1 =	vld [tilespmem:s18+$0xFFFFFFE0]  }
0x38: {  	s15 =	sadd.s32 s15, s16  }
0x39: {  	s18 =	sadd.s32 $0x40, s18;
	[tilespmem:s15+$0x1830 ss:$0x81] =	vst.msk $0xffff, v3  }
.Ltmp4:
0x3a: {  	_ = 	snop;
	(pc) =	sbr.rel .LBB1_4-.Ltmp4, $1  }
0x3b: {  	_ =	sdelay $0x3  }
.LBB1_6:
0x3c: {  	_ =	sfence.sel $0x180000  }
0x3d: {  	s2 =	simm.s32 $0x1;
	[bflag:$0x0] =	sbarrier.arrive $0xFFFF  }
0x3e: {  	s31 =	simm.s32 $0x2;
	[sflag:s2] =	ssyncpa.u1 $0x1  }
0x3f: {  	[sflag:s31] =	ssyncpa.u1 $0x1  }
0x40: {  	p0 =	sne.s32 s0, $0x0;
	_ =	strace $0x9000004A  }
0x41: {  	s0 =	sadd.s32 @!p0 $0x100000, s1;
	[bflag:$0x2] =	sbarrier.arrive $0xFFFF  }
0x42: {  	[sflag:s0] =	ssyncadd.tile.s32 @!p0 $0x1;
	_ =	shalt  }
.Lfunc_end1:
_tile_overlayer_lowered:
.L_overlay_start_2:
0x43: {  	(tag) =	ssettag $0x2  }
0x44: {  	s0 =	rddreg [dreg:$0x0];
	s2 =	stileid.u32  }
0x45: {  	s1 =	rddreg [dreg:$0x1];
	p0 =	sne.s32 s2, $0x0  }
0x46: {  	s3 =	rddreg [dreg:$0x2];
	[bflag:$0x3] =	sbarrier.arrive $0xFFFF;
	s2 =	simm.s32 @!p0 $0x1C01  }
0x47: {  	[timem:s3], [sflag:s2] =	dma.local @!p0 [hbm:s0], s1  }
0x48: {  	s0 =	simm.s32 @!p0 $0x1  }
0x49: {  	_ =	swait.ge @!p0 [sflag:s0], s1  }
0x4a: {  	s1 =	ssub.s32 @!p0 $0x0, s1;
	[sflag:s0] =	ssyncset.done @!p0 $0x0  }
0x4b: {  	[sflag:s0] =	ssyncadd.s32 @!p0 s1  }
0x4c: {  	[bflag:$0x3] =	sbarrier.arrive $0xFFFF  }
0x4d: {  	_ =	shalt  }

</sc_bundles>
